<compile_context>
chip_gen: v7x
topology: tpu7x:2x2x1
jax: 0.10.2.dev20260603
libtpu: 0.0.44.dev20260713+nightly
codegen_flags: <defaults>
</compile_context>

<pallas_src>
import functools
import jax
import jax.numpy as jnp
from jax import lax
from jax.experimental import pallas as pl
from jax.experimental.pallas import tpu as pltpu
from jax.experimental.pallas import tpu_sc as plsc

NC = 2
NS = 16
NW = NC * NS
G = 80
NSLOT = 4
L = 16


def _mm_body(h_ref, w_ref, o_ref):
    o_ref[...] = jnp.dot(h_ref[...], w_ref[...],
                         preferred_element_type=jnp.float32)


def _matmul(h, w):
    n, d = h.shape
    blk = 1000
    return pl.pallas_call(
        _mm_body,
        grid=(n // blk,),
        in_specs=[
            pl.BlockSpec((blk, d), lambda i: (i, 0)),
            pl.BlockSpec((d, d), lambda i: (0, 0)),
        ],
        out_specs=pl.BlockSpec((blk, d), lambda i: (i, 0)),
        out_shape=jax.ShapeDtypeStruct((n, d), jnp.float32),
    )(h, w)


def _make_sc_segsum(n_pad, d, e):
    ec = e // NW
    nb = ec // G
    rows_pt = n_pad // NS
    mesh = plsc.VectorSubcoreMesh(core_axis_name="c", subcore_axis_name="s")

    @functools.partial(
        pl.kernel,
        out_type=(
            jax.ShapeDtypeStruct((n_pad, d), jnp.float32),
            jax.ShapeDtypeStruct((n_pad, d), jnp.float32),
        ),
        mesh=mesh,
        scratch_types=[
            [pltpu.VMEM((2, G), jnp.int32) for _ in range(NSLOT)],
            [pltpu.VMEM((G, d), jnp.float32) for _ in range(NSLOT)],
            pltpu.VMEM_SHARED((n_pad, d), jnp.float32),
            [pltpu.SemaphoreType.DMA for _ in range(NSLOT)],
            [pltpu.SemaphoreType.DMA for _ in range(NSLOT)],
            [pltpu.SemaphoreType.DMA for _ in range(NSLOT)],
        ],
    )
    def sc_segsum(sd_hbm, hw_hbm, zrows_hbm, p0_hbm, p1_hbm,
                  idx_v, rows_v, acc_sh, semi, semg, sems):
        cid = lax.axis_index("c")
        sid = lax.axis_index("s")
        wid = cid * NS + sid
        gb0 = wid * nb

        pltpu.sync_copy(zrows_hbm, acc_sh.at[pl.ds(sid * rows_pt, rows_pt)])
        plsc.subcore_barrier()

        def wait_idx(s):
            pltpu.make_async_copy(sd_hbm.at[0], idx_v[s], semi[s]).wait()

        def wait_rows(s):
            pltpu.make_async_copy(hw_hbm.at[pl.ds(0, G)], rows_v[s],
                                  semg[s]).wait()

        def wait_scat(s):
            pltpu.make_async_copy(rows_v[s], acc_sh.at[pl.ds(0, G)],
                                  sems[s]).wait()

        for s in range(NSLOT):
            pltpu.sync_copy(sd_hbm.at[gb0 + s], idx_v[s])
            pltpu.async_copy(hw_hbm.at[idx_v[s].at[0]], rows_v[s], semg[s])

        def group(t, carry):
            base = gb0 + NSLOT * t
            for s in range(NSLOT):
                wait_rows(s)
                pltpu.async_copy(rows_v[s], acc_sh.at[idx_v[s].at[1]],
                                 sems[s], add=True)
            for s in range(NSLOT):
                wait_scat(s)
                pltpu.async_copy(sd_hbm.at[base + s + NSLOT], idx_v[s],
                                 semi[s])
            for s in range(NSLOT):
                wait_idx(s)
                pltpu.async_copy(hw_hbm.at[idx_v[s].at[0]], rows_v[s],
                                 semg[s])
            return carry
        ngroup = nb // NSLOT
        lax.fori_loop(0, ngroup, group, 0)

        for s in range(NSLOT):
            wait_rows(s)
            if ngroup * NSLOT + s < nb:
                pltpu.async_copy(rows_v[s], acc_sh.at[idx_v[s].at[1]],
                                 sems[s], add=True)
        for s in range(NSLOT):
            if ngroup * NSLOT + s < nb:
                wait_scat(s)
        plsc.subcore_barrier()

        @pl.when(cid == 0)
        def _():
            pltpu.sync_copy(acc_sh.at[pl.ds(sid * rows_pt, rows_pt)],
                            p0_hbm.at[pl.ds(sid * rows_pt, rows_pt)])

        @pl.when(cid == 1)
        def _():
            pltpu.sync_copy(acc_sh.at[pl.ds(sid * rows_pt, rows_pt)],
                            p1_hbm.at[pl.ds(sid * rows_pt, rows_pt)])

    return sc_segsum


def _make_sc_loss(n_pad, d, m_pad, m_real):
    mc = m_pad // NW
    mesh = plsc.VectorSubcoreMesh(core_axis_name="c", subcore_axis_name="s")

    @functools.partial(
        pl.kernel,
        out_type=jax.ShapeDtypeStruct((NW * L,), jnp.float32),
        mesh=mesh,
        scratch_types=[
            [pltpu.VMEM((G,), jnp.int32) for _ in range(2)],
            [pltpu.VMEM((G, d), jnp.float32) for _ in range(6)],
            pltpu.VMEM((d,), jnp.float32),
            pltpu.VMEM((L,), jnp.float32),
            [pltpu.SemaphoreType.DMA for _ in range(2)],
        ],
    )
    def sc_loss(p0_hbm, p1_hbm, x_hbm, mi_hbm, b_hbm, out_hbm,
                mi_v, rows_v, b_v, acc_v, sems):
        cid = lax.axis_index("c")
        sid = lax.axis_index("s")
        wid = cid * NS + sid
        nchunk = mc // G

        pltpu.sync_copy(b_hbm, b_v)
        acc_v[...] = jnp.zeros((L,), jnp.float32)

        for j in range(nchunk):
            off = wid * mc + j * G
            pltpu.sync_copy(mi_hbm.at[pl.ds(off, G)], mi_v[j])
            pltpu.async_copy(p0_hbm.at[mi_v[j]], rows_v[3 * j + 0], sems[j])
            pltpu.async_copy(p1_hbm.at[mi_v[j]], rows_v[3 * j + 1], sems[j])
            pltpu.async_copy(x_hbm.at[mi_v[j]], rows_v[3 * j + 2], sems[j])

        for j in range(nchunk):
            off = wid * mc + j * G
            for _ in range(3):
                pltpu.make_async_copy(
                    p0_hbm.at[pl.ds(0, G)], rows_v[3 * j], sems[j]).wait()
            r0_v, r1_v, rx_v = rows_v[3 * j], rows_v[3 * j + 1], rows_v[3 * j + 2]

            def row(r, carry):
                vs = jnp.where(off + r < m_real, jnp.float32(1.0),
                               jnp.float32(0.0))
                valid = jnp.full((L,), vs)
                s = jnp.zeros((L,), jnp.float32)
                for c in range(d // L):
                    cs = pl.ds(c * L, L)
                    dv = (r0_v[r, cs] + r1_v[r, cs] + b_v[cs]) - rx_v[r, cs]
                    s = s + dv * dv
                acc_v[...] = acc_v[...] + valid * s
                return carry
            lax.fori_loop(0, G, row, 0)

        pltpu.sync_copy(acc_v, out_hbm.at[pl.ds(wid * L, L)])

    return sc_loss


def kernel(x, h, edge_index, mask_nodes, W_dec, b_dec, inference=False):
    n, d = x.shape
    e = edge_index.shape[1]
    m = mask_nodes.shape[0]
    mc = -(-m // NW)
    mc = -(-mc // G) * G
    m_pad = mc * NW
    n_pad = -(-n // (NS * 8)) * (NS * 8)

    src = edge_index[0].astype(jnp.int32)
    dst = edge_index[1].astype(jnp.int32)
    sd = jnp.concatenate([src.reshape(-1, 1, G), dst.reshape(-1, 1, G)],
                         axis=1)
    sd = jnp.concatenate([sd, jnp.zeros((NSLOT, 2, G), jnp.int32)], axis=0)
    mi = jnp.zeros((m_pad,), jnp.int32).at[:m].set(mask_nodes.astype(jnp.int32))
    zrows = jnp.zeros((n_pad // NS, d), jnp.float32)

    hw = _matmul(h, W_dec)
    p0, p1 = _make_sc_segsum(n_pad, d, e)(sd, hw, zrows)
    lane_sums = _make_sc_loss(n_pad, d, m_pad, m)(p0, p1, x, mi, b_dec)
    loss = jnp.sum(lane_sums) / jnp.float32(m * d)
    return jnp.where(inference, jnp.float32(0.0), loss)

# --- scband reference (transcript-rebuilt; emitter-appended) ---
"""Pipeline reference for scband-gmaefeat-reconstruction-63239098466783 (READ-ONLY COPY).

The authoritative reference and input builder live on the scoring server;
editing this copy changes nothing except your own understanding.
"""

import jax, jax.numpy as jnp
import numpy as np

N = 10000
D = 128
E = 320000
M = 5000

def setup_inputs(seed: int = 0) -> dict:
    key = jax.random.key(seed)
    k1, k2, k3, k4, k5 = jax.random.split(key, 5)
    x = jax.random.normal(k1, (N, D), dtype=jnp.float32)
    h = jax.random.normal(k2, (N, D), dtype=jnp.float32)
    edge_index = jax.random.randint(k3, (2, E), 0, N, dtype=jnp.int64)
    mask_nodes = jax.random.randint(k4, (M,), 0, N, dtype=jnp.int64)
    # decoder parameters (simple GCN-style linear decoder: aggregate then project)
    W_dec = jax.random.normal(k5, (D, D), dtype=jnp.float32) * 0.02
    b_dec = jnp.zeros((D,), dtype=jnp.float32)
    return {"x": x, "h": h, "edge_index": edge_index, "mask_nodes": mask_nodes,
            "W_dec": W_dec, "b_dec": b_dec, "inference": False}

def reference(x, h, edge_index, mask_nodes, W_dec, b_dec, inference=False):
    # decoder(h, edge_index): message passing (gather src -> scatter-add to dst) + linear
    src = edge_index[0]
    dst = edge_index[1]
    msgs = jnp.take(h, src, axis=0)                      # gather  [E, D]
    agg = jax.ops.segment_sum(msgs, dst, num_segments=N) # scatter-add [N, D]
    recon = agg @ W_dec + b_dec                          # [N, D]
    # gather masked node rows
    x_init = jnp.take(x, mask_nodes, axis=0)             # [M, D]
    x_rec = jnp.take(recon, mask_nodes, axis=0)          # [M, D]
    # loss_fn: MSE over masked nodes
    loss = jnp.mean((x_rec - x_init) ** 2)
    loss = jnp.where(inference, jnp.float32(0.0), loss)
    return loss

if __name__ == "__main__":
    import jax
    _d = setup_inputs()
    print(jax.jit(kernel)(*tuple(_d.values())))

</pallas_src>

<mosaic_0001>
#map = affine_map<(d0, d1) -> (0, 0, 0)>
#map1 = affine_map<(d0, d1) -> (0, 0)>
module attributes {stable_mosaic.version = 14 : i64} {
  func.func @sc_segsum(%arg0: i32, %arg1: i32, %arg2: memref<4004x2x80xi32, #tpu.memory_space<hbm>>, %arg3: memref<10000x128xf32, #tpu.memory_space<hbm>>, %arg4: memref<632x128xf32, #tpu.memory_space<hbm>>, %arg5: memref<10112x128xf32, #tpu.memory_space<hbm>>, %arg6: memref<10112x128xf32, #tpu.memory_space<hbm>>, %arg7: memref<2x80xi32, #tpu.memory_space<vmem>>, %arg8: memref<2x80xi32, #tpu.memory_space<vmem>>, %arg9: memref<2x80xi32, #tpu.memory_space<vmem>>, %arg10: memref<2x80xi32, #tpu.memory_space<vmem>>, %arg11: memref<80x128xf32, #tpu.memory_space<vmem>>, %arg12: memref<80x128xf32, #tpu.memory_space<vmem>>, %arg13: memref<80x128xf32, #tpu.memory_space<vmem>>, %arg14: memref<80x128xf32, #tpu.memory_space<vmem>>, %arg15: memref<10112x128xf32, #tpu.memory_space<vmem_shared>>, %arg16: memref<!tpu.dma_semaphore, #tpu.memory_space<semaphore_mem>>, %arg17: memref<!tpu.dma_semaphore, #tpu.memory_space<semaphore_mem>>, %arg18: memref<!tpu.dma_semaphore, #tpu.memory_space<semaphore_mem>>, %arg19: memref<!tpu.dma_semaphore, #tpu.memory_space<semaphore_mem>>, %arg20: memref<!tpu.dma_semaphore, #tpu.memory_space<semaphore_mem>>, %arg21: memref<!tpu.dma_semaphore, #tpu.memory_space<semaphore_mem>>, %arg22: memref<!tpu.dma_semaphore, #tpu.memory_space<semaphore_mem>>, %arg23: memref<!tpu.dma_semaphore, #tpu.memory_space<semaphore_mem>>, %arg24: memref<!tpu.dma_semaphore, #tpu.memory_space<semaphore_mem>>, %arg25: memref<!tpu.dma_semaphore, #tpu.memory_space<semaphore_mem>>, %arg26: memref<!tpu.dma_semaphore, #tpu.memory_space<semaphore_mem>>, %arg27: memref<!tpu.dma_semaphore, #tpu.memory_space<semaphore_mem>>) attributes {dimension_semantics = [#tpu.dimension_semantics<core_parallel>, #tpu.dimension_semantics<subcore_parallel>], iteration_bounds = array<i64: 2, 16>, scalar_prefetch = 0 : i64, scratch_operands = 21 : i64, tpu.core_type = #tpu.core_type<sc_vector_subcore>, window_params = [{transform_indices = #map}, {transform_indices = #map1}, {transform_indices = #map1}, {transform_indices = #map1}, {transform_indices = #map1}]} {
    %mul3A = arith.constant 16 : i32
    %mul3A_0 = arith.muli %arg0, %mul3A : i32
    %add3A = arith.addi %mul3A_0, %arg1 : i32
    %mul3A_1 = arith.constant 125 : i32
    %mul3A_2 = arith.muli %add3A, %mul3A_1 : i32
    %mul3A_3 = arith.constant 632 : i32
    %mul3A_4 = arith.muli %arg1, %mul3A_3 : i32
    "tpu.region"() ({
      %run_scoped3A = tpu.sem_alloc : memref<!tpu.dma_semaphore, #tpu.memory_space<semaphore_mem>>
      %dma_start3A_89 = arith.constant 0 : i32
      %dma_start3A_90 = tpu.memref_slice %arg15[%mul3A_4, %dma_start3A_89] : memref<10112x128xf32, #tpu.memory_space<vmem_shared>> -> memref<632x128xf32, #tpu.memory_space<vmem_shared>>
      tpu.enqueue_dma source(%arg4 : memref<632x128xf32, #tpu.memory_space<hbm>>) target(%dma_start3A_90 : memref<632x128xf32, #tpu.memory_space<vmem_shared>>) target_semaphore(%run_scoped3A : memref<!tpu.dma_semaphore, #tpu.memory_space<semaphore_mem>>)
      %dma_wait3A_91 = arith.constant 0 : i32
      %dma_wait3A_92 = tpu.memref_slice %arg15[%mul3A_4, %dma_wait3A_91] : memref<10112x128xf32, #tpu.memory_space<vmem_shared>> -> memref<632x128xf32, #tpu.memory_space<vmem_shared>>
      tpu.wait_dma2 semaphore(%run_scoped3A : memref<!tpu.dma_semaphore, #tpu.memory_space<semaphore_mem>>) src(%arg4 : memref<632x128xf32, #tpu.memory_space<hbm>>) dst(%dma_wait3A_92 : memref<632x128xf32, #tpu.memory_space<vmem_shared>>)
      tpu.yield
    }) : () -> ()
    %barrier3A = arith.constant 0 : index
    tpu.barrier barrier_id(%barrier3A)
    %add3A_5 = arith.constant 0 : i32
    %add3A_6 = arith.addi %mul3A_2, %add3A_5 : i32
    "tpu.region"() ({
      %run_scoped3A = tpu.sem_alloc : memref<!tpu.dma_semaphore, #tpu.memory_space<semaphore_mem>>
      %dma_start3A_89 = arith.constant 0 : i32
      %dma_start3A_90 = arith.constant 0 : i32
      %dma_start3A_91 = tpu.memref_slice %arg2[%add3A_6, %dma_start3A_89, %dma_start3A_90] : memref<4004x2x80xi32, #tpu.memory_space<hbm>> -> memref<1x2x80xi32, #tpu.memory_space<hbm>>
      %dma_start3A_92 = tpu.memref_squeeze %dma_start3A_91 : memref<1x2x80xi32, #tpu.memory_space<hbm>> -> memref<2x80xi32, #tpu.memory_space<hbm>>
      %dma_start3A_93 = arith.constant 0 : i32
      %dma_start3A_94 = arith.constant 0 : i32
      %dma_start3A_95 = tpu.memref_slice %arg2[%add3A_6, %dma_start3A_93, %dma_start3A_94] : memref<4004x2x80xi32, #tpu.memory_space<hbm>> -> memref<1x2x80xi32, #tpu.memory_space<hbm>>
      %dma_start3A_96 = tpu.memref_squeeze %dma_start3A_95 : memref<1x2x80xi32, #tpu.memory_space<hbm>> -> memref<2x80xi32, #tpu.memory_space<hbm>>
      tpu.enqueue_dma source(%dma_start3A_96 : memref<2x80xi32, #tpu.memory_space<hbm>>) target(%arg7 : memref<2x80xi32, #tpu.memory_space<vmem>>) target_semaphore(%run_scoped3A : memref<!tpu.dma_semaphore, #tpu.memory_space<semaphore_mem>>)
      %dma_wait3A_97 = arith.constant 0 : i32
      %dma_wait3A_98 = arith.constant 0 : i32
      %dma_wait3A_99 = tpu.memref_slice %arg2[%add3A_6, %dma_wait3A_97, %dma_wait3A_98] : memref<4004x2x80xi32, #tpu.memory_space<hbm>> -> memref<1x2x80xi32, #tpu.memory_space<hbm>>
      %dma_wait3A_100 = tpu.memref_squeeze %dma_wait3A_99 : memref<1x2x80xi32, #tpu.memory_space<hbm>> -> memref<2x80xi32, #tpu.memory_space<hbm>>
      %dma_wait3A_101 = arith.constant 0 : i32
      %dma_wait3A_102 = arith.constant 0 : i32
      %dma_wait3A_103 = tpu.memref_slice %arg2[%add3A_6, %dma_wait3A_101, %dma_wait3A_102] : memref<4004x2x80xi32, #tpu.memory_space<hbm>> -> memref<1x2x80xi32, #tpu.memory_space<hbm>>
      %dma_wait3A_104 = tpu.memref_squeeze %dma_wait3A_103 : memref<1x2x80xi32, #tpu.memory_space<hbm>> -> memref<2x80xi32, #tpu.memory_space<hbm>>
      tpu.wait_dma2 semaphore(%run_scoped3A : memref<!tpu.dma_semaphore, #tpu.memory_space<semaphore_mem>>) src(%dma_wait3A_104 : memref<2x80xi32, #tpu.memory_space<hbm>>) dst(%arg7 : memref<2x80xi32, #tpu.memory_space<vmem>>)
      tpu.yield
    }) : () -> ()
    %dma_start3A = arith.constant 0 : i32
    %dma_start3A_7 = arith.constant 0 : i32
    %dma_start3A_8 = tpu.memref_slice %arg7[%dma_start3A, %dma_start3A_7] : memref<2x80xi32, #tpu.memory_space<vmem>> -> memref<1x80xi32, #tpu.memory_space<vmem>>
    %dma_start3A_9 = tpu.memref_squeeze %dma_start3A_8 : memref<1x80xi32, #tpu.memory_space<vmem>> -> memref<80xi32, #tpu.memory_space<vmem>>
    %dma_start3A_10 = arith.constant 0 : i32
    %dma_start3A_11 = arith.constant 0 : i32
    %dma_start3A_12 = tpu.memref_slice %arg3[%dma_start3A_10, %dma_start3A_11] : memref<10000x128xf32, #tpu.memory_space<hbm>> -> memref<10000x128xf32, #tpu.memory_space<hbm>>
    tpu.enqueue_indirect_dma source(%dma_start3A_12 : memref<10000x128xf32, #tpu.memory_space<hbm>>) target(%arg11 : memref<80x128xf32, #tpu.memory_space<vmem>>) offsets(%dma_start3A_9 : memref<80xi32, #tpu.memory_space<vmem>>) semaphore(%arg20 : memref<!tpu.dma_semaphore, #tpu.memory_space<semaphore_mem>>)
    %add3A_13 = arith.constant 1 : i32
    %add3A_14 = arith.addi %mul3A_2, %add3A_13 : i32
    "tpu.region"() ({
      %run_scoped3A = tpu.sem_alloc : memref<!tpu.dma_semaphore, #tpu.memory_space<semaphore_mem>>
      %dma_start3A_89 = arith.constant 0 : i32
      %dma_start3A_90 = arith.constant 0 : i32
      %dma_start3A_91 = tpu.memref_slice %arg2[%add3A_14, %dma_start3A_89, %dma_start3A_90] : memref<4004x2x80xi32, #tpu.memory_space<hbm>> -> memref<1x2x80xi32, #tpu.memory_space<hbm>>
      %dma_start3A_92 = tpu.memref_squeeze %dma_start3A_91 : memref<1x2x80xi32, #tpu.memory_space<hbm>> -> memref<2x80xi32, #tpu.memory_space<hbm>>
      %dma_start3A_93 = arith.constant 0 : i32
      %dma_start3A_94 = arith.constant 0 : i32
      %dma_start3A_95 = tpu.memref_slice %arg2[%add3A_14, %dma_start3A_93, %dma_start3A_94] : memref<4004x2x80xi32, #tpu.memory_space<hbm>> -> memref<1x2x80xi32, #tpu.memory_space<hbm>>
      %dma_start3A_96 = tpu.memref_squeeze %dma_start3A_95 : memref<1x2x80xi32, #tpu.memory_space<hbm>> -> memref<2x80xi32, #tpu.memory_space<hbm>>
      tpu.enqueue_dma source(%dma_start3A_96 : memref<2x80xi32, #tpu.memory_space<hbm>>) target(%arg8 : memref<2x80xi32, #tpu.memory_space<vmem>>) target_semaphore(%run_scoped3A : memref<!tpu.dma_semaphore, #tpu.memory_space<semaphore_mem>>)
      %dma_wait3A_97 = arith.constant 0 : i32
      %dma_wait3A_98 = arith.constant 0 : i32
      %dma_wait3A_99 = tpu.memref_slice %arg2[%add3A_14, %dma_wait3A_97, %dma_wait3A_98] : memref<4004x2x80xi32, #tpu.memory_space<hbm>> -> memref<1x2x80xi32, #tpu.memory_space<hbm>>
      %dma_wait3A_100 = tpu.memref_squeeze %dma_wait3A_99 : memref<1x2x80xi32, #tpu.memory_space<hbm>> -> memref<2x80xi32, #tpu.memory_space<hbm>>
      %dma_wait3A_101 = arith.constant 0 : i32
      %dma_wait3A_102 = arith.constant 0 : i32
      %dma_wait3A_103 = tpu.memref_slice %arg2[%add3A_14, %dma_wait3A_101, %dma_wait3A_102] : memref<4004x2x80xi32, #tpu.memory_space<hbm>> -> memref<1x2x80xi32, #tpu.memory_space<hbm>>
      %dma_wait3A_104 = tpu.memref_squeeze %dma_wait3A_103 : memref<1x2x80xi32, #tpu.memory_space<hbm>> -> memref<2x80xi32, #tpu.memory_space<hbm>>
      tpu.wait_dma2 semaphore(%run_scoped3A : memref<!tpu.dma_semaphore, #tpu.memory_space<semaphore_mem>>) src(%dma_wait3A_104 : memref<2x80xi32, #tpu.memory_space<hbm>>) dst(%arg8 : memref<2x80xi32, #tpu.memory_space<vmem>>)
      tpu.yield
    }) : () -> ()
    %dma_start3A_15 = arith.constant 0 : i32
    %dma_start3A_16 = arith.constant 0 : i32
    %dma_start3A_17 = tpu.memref_slice %arg8[%dma_start3A_15, %dma_start3A_16] : memref<2x80xi32, #tpu.memory_space<vmem>> -> memref<1x80xi32, #tpu.memory_space<vmem>>
    %dma_start3A_18 = tpu.memref_squeeze %dma_start3A_17 : memref<1x80xi32, #tpu.memory_space<vmem>> -> memref<80xi32, #tpu.memory_space<vmem>>
    %dma_start3A_19 = arith.constant 0 : i32
    %dma_start3A_20 = arith.constant 0 : i32
    %dma_start3A_21 = tpu.memref_slice %arg3[%dma_start3A_19, %dma_start3A_20] : memref<10000x128xf32, #tpu.memory_space<hbm>> -> memref<10000x128xf32, #tpu.memory_space<hbm>>
    tpu.enqueue_indirect_dma source(%dma_start3A_21 : memref<10000x128xf32, #tpu.memory_space<hbm>>) target(%arg12 : memref<80x128xf32, #tpu.memory_space<vmem>>) offsets(%dma_start3A_18 : memref<80xi32, #tpu.memory_space<vmem>>) semaphore(%arg21 : memref<!tpu.dma_semaphore, #tpu.memory_space<semaphore_mem>>)
    %add3A_22 = arith.constant 2 : i32
    %add3A_23 = arith.addi %mul3A_2, %add3A_22 : i32
    "tpu.region"() ({
      %run_scoped3A = tpu.sem_alloc : memref<!tpu.dma_semaphore, #tpu.memory_space<semaphore_mem>>
      %dma_start3A_89 = arith.constant 0 : i32
      %dma_start3A_90 = arith.constant 0 : i32
      %dma_start3A_91 = tpu.memref_slice %arg2[%add3A_23, %dma_start3A_89, %dma_start3A_90] : memref<4004x2x80xi32, #tpu.memory_space<hbm>> -> memref<1x2x80xi32, #tpu.memory_space<hbm>>
      %dma_start3A_92 = tpu.memref_squeeze %dma_start3A_91 : memref<1x2x80xi32, #tpu.memory_space<hbm>> -> memref<2x80xi32, #tpu.memory_space<hbm>>
      %dma_start3A_93 = arith.constant 0 : i32
      %dma_start3A_94 = arith.constant 0 : i32
      %dma_start3A_95 = tpu.memref_slice %arg2[%add3A_23, %dma_start3A_93, %dma_start3A_94] : memref<4004x2x80xi32, #tpu.memory_space<hbm>> -> memref<1x2x80xi32, #tpu.memory_space<hbm>>
      %dma_start3A_96 = tpu.memref_squeeze %dma_start3A_95 : memref<1x2x80xi32, #tpu.memory_space<hbm>> -> memref<2x80xi32, #tpu.memory_space<hbm>>
      tpu.enqueue_dma source(%dma_start3A_96 : memref<2x80xi32, #tpu.memory_space<hbm>>) target(%arg9 : memref<2x80xi32, #tpu.memory_space<vmem>>) target_semaphore(%run_scoped3A : memref<!tpu.dma_semaphore, #tpu.memory_space<semaphore_mem>>)
      %dma_wait3A_97 = arith.constant 0 : i32
      %dma_wait3A_98 = arith.constant 0 : i32
      %dma_wait3A_99 = tpu.memref_slice %arg2[%add3A_23, %dma_wait3A_97, %dma_wait3A_98] : memref<4004x2x80xi32, #tpu.memory_space<hbm>> -> memref<1x2x80xi32, #tpu.memory_space<hbm>>
      %dma_wait3A_100 = tpu.memref_squeeze %dma_wait3A_99 : memref<1x2x80xi32, #tpu.memory_space<hbm>> -> memref<2x80xi32, #tpu.memory_space<hbm>>
      %dma_wait3A_101 = arith.constant 0 : i32
      %dma_wait3A_102 = arith.constant 0 : i32
      %dma_wait3A_103 = tpu.memref_slice %arg2[%add3A_23, %dma_wait3A_101, %dma_wait3A_102] : memref<4004x2x80xi32, #tpu.memory_space<hbm>> -> memref<1x2x80xi32, #tpu.memory_space<hbm>>
      %dma_wait3A_104 = tpu.memref_squeeze %dma_wait3A_103 : memref<1x2x80xi32, #tpu.memory_space<hbm>> -> memref<2x80xi32, #tpu.memory_space<hbm>>
      tpu.wait_dma2 semaphore(%run_scoped3A : memref<!tpu.dma_semaphore, #tpu.memory_space<semaphore_mem>>) src(%dma_wait3A_104 : memref<2x80xi32, #tpu.memory_space<hbm>>) dst(%arg9 : memref<2x80xi32, #tpu.memory_space<vmem>>)
      tpu.yield
    }) : () -> ()
    %dma_start3A_24 = arith.constant 0 : i32
    %dma_start3A_25 = arith.constant 0 : i32
    %dma_start3A_26 = tpu.memref_slice %arg9[%dma_start3A_24, %dma_start3A_25] : memref<2x80xi32, #tpu.memory_space<vmem>> -> memref<1x80xi32, #tpu.memory_space<vmem>>
    %dma_start3A_27 = tpu.memref_squeeze %dma_start3A_26 : memref<1x80xi32, #tpu.memory_space<vmem>> -> memref<80xi32, #tpu.memory_space<vmem>>
    %dma_start3A_28 = arith.constant 0 : i32
    %dma_start3A_29 = arith.constant 0 : i32
    %dma_start3A_30 = tpu.memref_slice %arg3[%dma_start3A_28, %dma_start3A_29] : memref<10000x128xf32, #tpu.memory_space<hbm>> -> memref<10000x128xf32, #tpu.memory_space<hbm>>
    tpu.enqueue_indirect_dma source(%dma_start3A_30 : memref<10000x128xf32, #tpu.memory_space<hbm>>) target(%arg13 : memref<80x128xf32, #tpu.memory_space<vmem>>) offsets(%dma_start3A_27 : memref<80xi32, #tpu.memory_space<vmem>>) semaphore(%arg22 : memref<!tpu.dma_semaphore, #tpu.memory_space<semaphore_mem>>)
    %add3A_31 = arith.constant 3 : i32
    %add3A_32 = arith.addi %mul3A_2, %add3A_31 : i32
    "tpu.region"() ({
      %run_scoped3A = tpu.sem_alloc : memref<!tpu.dma_semaphore, #tpu.memory_space<semaphore_mem>>
      %dma_start3A_89 = arith.constant 0 : i32
      %dma_start3A_90 = arith.constant 0 : i32
      %dma_start3A_91 = tpu.memref_slice %arg2[%add3A_32, %dma_start3A_89, %dma_start3A_90] : memref<4004x2x80xi32, #tpu.memory_space<hbm>> -> memref<1x2x80xi32, #tpu.memory_space<hbm>>
      %dma_start3A_92 = tpu.memref_squeeze %dma_start3A_91 : memref<1x2x80xi32, #tpu.memory_space<hbm>> -> memref<2x80xi32, #tpu.memory_space<hbm>>
      %dma_start3A_93 = arith.constant 0 : i32
      %dma_start3A_94 = arith.constant 0 : i32
      %dma_start3A_95 = tpu.memref_slice %arg2[%add3A_32, %dma_start3A_93, %dma_start3A_94] : memref<4004x2x80xi32, #tpu.memory_space<hbm>> -> memref<1x2x80xi32, #tpu.memory_space<hbm>>
      %dma_start3A_96 = tpu.memref_squeeze %dma_start3A_95 : memref<1x2x80xi32, #tpu.memory_space<hbm>> -> memref<2x80xi32, #tpu.memory_space<hbm>>
      tpu.enqueue_dma source(%dma_start3A_96 : memref<2x80xi32, #tpu.memory_space<hbm>>) target(%arg10 : memref<2x80xi32, #tpu.memory_space<vmem>>) target_semaphore(%run_scoped3A : memref<!tpu.dma_semaphore, #tpu.memory_space<semaphore_mem>>)
      %dma_wait3A_97 = arith.constant 0 : i32
      %dma_wait3A_98 = arith.constant 0 : i32
      %dma_wait3A_99 = tpu.memref_slice %arg2[%add3A_32, %dma_wait3A_97, %dma_wait3A_98] : memref<4004x2x80xi32, #tpu.memory_space<hbm>> -> memref<1x2x80xi32, #tpu.memory_space<hbm>>
      %dma_wait3A_100 = tpu.memref_squeeze %dma_wait3A_99 : memref<1x2x80xi32, #tpu.memory_space<hbm>> -> memref<2x80xi32, #tpu.memory_space<hbm>>
      %dma_wait3A_101 = arith.constant 0 : i32
      %dma_wait3A_102 = arith.constant 0 : i32
      %dma_wait3A_103 = tpu.memref_slice %arg2[%add3A_32, %dma_wait3A_101, %dma_wait3A_102] : memref<4004x2x80xi32, #tpu.memory_space<hbm>> -> memref<1x2x80xi32, #tpu.memory_space<hbm>>
      %dma_wait3A_104 = tpu.memref_squeeze %dma_wait3A_103 : memref<1x2x80xi32, #tpu.memory_space<hbm>> -> memref<2x80xi32, #tpu.memory_space<hbm>>
      tpu.wait_dma2 semaphore(%run_scoped3A : memref<!tpu.dma_semaphore, #tpu.memory_space<semaphore_mem>>) src(%dma_wait3A_104 : memref<2x80xi32, #tpu.memory_space<hbm>>) dst(%arg10 : memref<2x80xi32, #tpu.memory_space<vmem>>)
      tpu.yield
    }) : () -> ()
    %dma_start3A_33 = arith.constant 0 : i32
    %dma_start3A_34 = arith.constant 0 : i32
    %dma_start3A_35 = tpu.memref_slice %arg10[%dma_start3A_33, %dma_start3A_34] : memref<2x80xi32, #tpu.memory_space<vmem>> -> memref<1x80xi32, #tpu.memory_space<vmem>>
    %dma_start3A_36 = tpu.memref_squeeze %dma_start3A_35 : memref<1x80xi32, #tpu.memory_space<vmem>> -> memref<80xi32, #tpu.memory_space<vmem>>
    %dma_start3A_37 = arith.constant 0 : i32
    %dma_start3A_38 = arith.constant 0 : i32
    %dma_start3A_39 = tpu.memref_slice %arg3[%dma_start3A_37, %dma_start3A_38] : memref<10000x128xf32, #tpu.memory_space<hbm>> -> memref<10000x128xf32, #tpu.memory_space<hbm>>
    tpu.enqueue_indirect_dma source(%dma_start3A_39 : memref<10000x128xf32, #tpu.memory_space<hbm>>) target(%arg14 : memref<80x128xf32, #tpu.memory_space<vmem>>) offsets(%dma_start3A_36 : memref<80xi32, #tpu.memory_space<vmem>>) semaphore(%arg23 : memref<!tpu.dma_semaphore, #tpu.memory_space<semaphore_mem>>)
    %scan3A = arith.constant 0 : i32
    %scan3A_40 = arith.constant 0 : i32
    %scan3A_41 = arith.constant 31 : i32
    %scan3A_42 = arith.addi %scan3A_40, %scan3A_41 : i32
    %scan3A_43 = arith.constant 1 : i32
    scf.for %scan3A_89 = %scan3A_40 to %scan3A_42 step %scan3A_43  : i32 {
      %mul3A_90 = arith.constant 4 : i32
      %mul3A_91 = arith.muli %mul3A_90, %scan3A_89 : i32
      %add3A_92 = arith.addi %mul3A_2, %mul3A_91 : i32
      %dma_wait3A_93 = arith.constant 0 : i32
      %dma_wait3A_94 = arith.constant 0 : i32
      %dma_wait3A_95 = tpu.memref_slice %arg3[%dma_wait3A_93, %dma_wait3A_94] : memref<10000x128xf32, #tpu.memory_space<hbm>> -> memref<80x128xf32, #tpu.memory_space<hbm>>
      %dma_wait3A_96 = arith.constant 0 : i32
      %dma_wait3A_97 = arith.constant 0 : i32
      %dma_wait3A_98 = tpu.memref_slice %arg3[%dma_wait3A_96, %dma_wait3A_97] : memref<10000x128xf32, #tpu.memory_space<hbm>> -> memref<80x128xf32, #tpu.memory_space<hbm>>
      tpu.wait_dma2 semaphore(%arg20 : memref<!tpu.dma_semaphore, #tpu.memory_space<semaphore_mem>>) src(%dma_wait3A_98 : memref<80x128xf32, #tpu.memory_space<hbm>>) dst(%arg11 : memref<80x128xf32, #tpu.memory_space<vmem>>)
      %dma_start3A_99 = arith.constant 1 : i32
      %dma_start3A_100 = arith.constant 0 : i32
      %dma_start3A_101 = tpu.memref_slice %arg7[%dma_start3A_99, %dma_start3A_100] : memref<2x80xi32, #tpu.memory_space<vmem>> -> memref<1x80xi32, #tpu.memory_space<vmem>>
      %dma_start3A_102 = tpu.memref_squeeze %dma_start3A_101 : memref<1x80xi32, #tpu.memory_space<vmem>> -> memref<80xi32, #tpu.memory_space<vmem>>
      %dma_start3A_103 = arith.constant 0 : i32
      %dma_start3A_104 = arith.constant 0 : i32
      %dma_start3A_105 = tpu.memref_slice %arg15[%dma_start3A_103, %dma_start3A_104] : memref<10112x128xf32, #tpu.memory_space<vmem_shared>> -> memref<10112x128xf32, #tpu.memory_space<vmem_shared>>
      tpu.enqueue_indirect_dma source(%arg11 : memref<80x128xf32, #tpu.memory_space<vmem>>) target(%dma_start3A_105 : memref<10112x128xf32, #tpu.memory_space<vmem_shared>>) offsets(%dma_start3A_102 : memref<80xi32, #tpu.memory_space<vmem>>) semaphore(%arg24 : memref<!tpu.dma_semaphore, #tpu.memory_space<semaphore_mem>>) {add = true}
      %dma_wait3A_106 = arith.constant 0 : i32
      %dma_wait3A_107 = arith.constant 0 : i32
      %dma_wait3A_108 = tpu.memref_slice %arg3[%dma_wait3A_106, %dma_wait3A_107] : memref<10000x128xf32, #tpu.memory_space<hbm>> -> memref<80x128xf32, #tpu.memory_space<hbm>>
      %dma_wait3A_109 = arith.constant 0 : i32
      %dma_wait3A_110 = arith.constant 0 : i32
      %dma_wait3A_111 = tpu.memref_slice %arg3[%dma_wait3A_109, %dma_wait3A_110] : memref<10000x128xf32, #tpu.memory_space<hbm>> -> memref<80x128xf32, #tpu.memory_space<hbm>>
      tpu.wait_dma2 semaphore(%arg21 : memref<!tpu.dma_semaphore, #tpu.memory_space<semaphore_mem>>) src(%dma_wait3A_111 : memref<80x128xf32, #tpu.memory_space<hbm>>) dst(%arg12 : memref<80x128xf32, #tpu.memory_space<vmem>>)
      %dma_start3A_112 = arith.constant 1 : i32
      %dma_start3A_113 = arith.constant 0 : i32
      %dma_start3A_114 = tpu.memref_slice %arg8[%dma_start3A_112, %dma_start3A_113] : memref<2x80xi32, #tpu.memory_space<vmem>> -> memref<1x80xi32, #tpu.memory_space<vmem>>
      %dma_start3A_115 = tpu.memref_squeeze %dma_start3A_114 : memref<1x80xi32, #tpu.memory_space<vmem>> -> memref<80xi32, #tpu.memory_space<vmem>>
      %dma_start3A_116 = arith.constant 0 : i32
      %dma_start3A_117 = arith.constant 0 : i32
      %dma_start3A_118 = tpu.memref_slice %arg15[%dma_start3A_116, %dma_start3A_117] : memref<10112x128xf32, #tpu.memory_space<vmem_shared>> -> memref<10112x128xf32, #tpu.memory_space<vmem_shared>>
      tpu.enqueue_indirect_dma source(%arg12 : memref<80x128xf32, #tpu.memory_space<vmem>>) target(%dma_start3A_118 : memref<10112x128xf32, #tpu.memory_space<vmem_shared>>) offsets(%dma_start3A_115 : memref<80xi32, #tpu.memory_space<vmem>>) semaphore(%arg25 : memref<!tpu.dma_semaphore, #tpu.memory_space<semaphore_mem>>) {add = true}
      %dma_wait3A_119 = arith.constant 0 : i32
      %dma_wait3A_120 = arith.constant 0 : i32
      %dma_wait3A_121 = tpu.memref_slice %arg3[%dma_wait3A_119, %dma_wait3A_120] : memref<10000x128xf32, #tpu.memory_space<hbm>> -> memref<80x128xf32, #tpu.memory_space<hbm>>
      %dma_wait3A_122 = arith.constant 0 : i32
      %dma_wait3A_123 = arith.constant 0 : i32
      %dma_wait3A_124 = tpu.memref_slice %arg3[%dma_wait3A_122, %dma_wait3A_123] : memref<10000x128xf32, #tpu.memory_space<hbm>> -> memref<80x128xf32, #tpu.memory_space<hbm>>
      tpu.wait_dma2 semaphore(%arg22 : memref<!tpu.dma_semaphore, #tpu.memory_space<semaphore_mem>>) src(%dma_wait3A_124 : memref<80x128xf32, #tpu.memory_space<hbm>>) dst(%arg13 : memref<80x128xf32, #tpu.memory_space<vmem>>)
      %dma_start3A_125 = arith.constant 1 : i32
      %dma_start3A_126 = arith.constant 0 : i32
      %dma_start3A_127 = tpu.memref_slice %arg9[%dma_start3A_125, %dma_start3A_126] : memref<2x80xi32, #tpu.memory_space<vmem>> -> memref<1x80xi32, #tpu.memory_space<vmem>>
      %dma_start3A_128 = tpu.memref_squeeze %dma_start3A_127 : memref<1x80xi32, #tpu.memory_space<vmem>> -> memref<80xi32, #tpu.memory_space<vmem>>
      %dma_start3A_129 = arith.constant 0 : i32
      %dma_start3A_130 = arith.constant 0 : i32
      %dma_start3A_131 = tpu.memref_slice %arg15[%dma_start3A_129, %dma_start3A_130] : memref<10112x128xf32, #tpu.memory_space<vmem_shared>> -> memref<10112x128xf32, #tpu.memory_space<vmem_shared>>
      tpu.enqueue_indirect_dma source(%arg13 : memref<80x128xf32, #tpu.memory_space<vmem>>) target(%dma_start3A_131 : memref<10112x128xf32, #tpu.memory_space<vmem_shared>>) offsets(%dma_start3A_128 : memref<80xi32, #tpu.memory_space<vmem>>) semaphore(%arg26 : memref<!tpu.dma_semaphore, #tpu.memory_space<semaphore_mem>>) {add = true}
      %dma_wait3A_132 = arith.constant 0 : i32
      %dma_wait3A_133 = arith.constant 0 : i32
      %dma_wait3A_134 = tpu.memref_slice %arg3[%dma_wait3A_132, %dma_wait3A_133] : memref<10000x128xf32, #tpu.memory_space<hbm>> -> memref<80x128xf32, #tpu.memory_space<hbm>>
      %dma_wait3A_135 = arith.constant 0 : i32
      %dma_wait3A_136 = arith.constant 0 : i32
      %dma_wait3A_137 = tpu.memref_slice %arg3[%dma_wait3A_135, %dma_wait3A_136] : memref<10000x128xf32, #tpu.memory_space<hbm>> -> memref<80x128xf32, #tpu.memory_space<hbm>>
      tpu.wait_dma2 semaphore(%arg23 : memref<!tpu.dma_semaphore, #tpu.memory_space<semaphore_mem>>) src(%dma_wait3A_137 : memref<80x128xf32, #tpu.memory_space<hbm>>) dst(%arg14 : memref<80x128xf32, #tpu.memory_space<vmem>>)
      %dma_start3A_138 = arith.constant 1 : i32
      %dma_start3A_139 = arith.constant 0 : i32
      %dma_start3A_140 = tpu.memref_slice %arg10[%dma_start3A_138, %dma_start3A_139] : memref<2x80xi32, #tpu.memory_space<vmem>> -> memref<1x80xi32, #tpu.memory_space<vmem>>
      %dma_start3A_141 = tpu.memref_squeeze %dma_start3A_140 : memref<1x80xi32, #tpu.memory_space<vmem>> -> memref<80xi32, #tpu.memory_space<vmem>>
      %dma_start3A_142 = arith.constant 0 : i32
      %dma_start3A_143 = arith.constant 0 : i32
      %dma_start3A_144 = tpu.memref_slice %arg15[%dma_start3A_142, %dma_start3A_143] : memref<10112x128xf32, #tpu.memory_space<vmem_shared>> -> memref<10112x128xf32, #tpu.memory_space<vmem_shared>>
      tpu.enqueue_indirect_dma source(%arg14 : memref<80x128xf32, #tpu.memory_space<vmem>>) target(%dma_start3A_144 : memref<10112x128xf32, #tpu.memory_space<vmem_shared>>) offsets(%dma_start3A_141 : memref<80xi32, #tpu.memory_space<vmem>>) semaphore(%arg27 : memref<!tpu.dma_semaphore, #tpu.memory_space<semaphore_mem>>) {add = true}
      %dma_wait3A_145 = arith.constant 0 : i32
      %dma_wait3A_146 = arith.constant 0 : i32
      %dma_wait3A_147 = tpu.memref_slice %arg15[%dma_wait3A_145, %dma_wait3A_146] : memref<10112x128xf32, #tpu.memory_space<vmem_shared>> -> memref<80x128xf32, #tpu.memory_space<vmem_shared>>
      %dma_wait3A_148 = arith.constant 0 : i32
      %dma_wait3A_149 = arith.constant 0 : i32
      %dma_wait3A_150 = tpu.memref_slice %arg15[%dma_wait3A_148, %dma_wait3A_149] : memref<10112x128xf32, #tpu.memory_space<vmem_shared>> -> memref<80x128xf32, #tpu.memory_space<vmem_shared>>
      tpu.wait_dma2 semaphore(%arg24 : memref<!tpu.dma_semaphore, #tpu.memory_space<semaphore_mem>>) src(%arg11 : memref<80x128xf32, #tpu.memory_space<vmem>>) dst(%dma_wait3A_150 : memref<80x128xf32, #tpu.memory_space<vmem_shared>>)
      %add3A_151 = arith.constant 0 : i32
      %add3A_152 = arith.addi %add3A_92, %add3A_151 : i32
      %add3A_153 = arith.constant 4 : i32
      %add3A_154 = arith.addi %add3A_152, %add3A_153 : i32
      %dma_start3A_155 = arith.constant 0 : i32
      %dma_start3A_156 = arith.constant 0 : i32
      %dma_start3A_157 = tpu.memref_slice %arg2[%add3A_154, %dma_start3A_155, %dma_start3A_156] : memref<4004x2x80xi32, #tpu.memory_space<hbm>> -> memref<1x2x80xi32, #tpu.memory_space<hbm>>
      %dma_start3A_158 = tpu.memref_squeeze %dma_start3A_157 : memref<1x2x80xi32, #tpu.memory_space<hbm>> -> memref<2x80xi32, #tpu.memory_space<hbm>>
      %dma_start3A_159 = arith.constant 0 : i32
      %dma_start3A_160 = arith.constant 0 : i32
      %dma_start3A_161 = tpu.memref_slice %arg2[%add3A_154, %dma_start3A_159, %dma_start3A_160] : memref<4004x2x80xi32, #tpu.memory_space<hbm>> -> memref<1x2x80xi32, #tpu.memory_space<hbm>>
      %dma_start3A_162 = tpu.memref_squeeze %dma_start3A_161 : memref<1x2x80xi32, #tpu.memory_space<hbm>> -> memref<2x80xi32, #tpu.memory_space<hbm>>
      tpu.enqueue_dma source(%dma_start3A_162 : memref<2x80xi32, #tpu.memory_space<hbm>>) target(%arg7 : memref<2x80xi32, #tpu.memory_space<vmem>>) target_semaphore(%arg16 : memref<!tpu.dma_semaphore, #tpu.memory_space<semaphore_mem>>)
      %dma_wait3A_163 = arith.constant 0 : i32
      %dma_wait3A_164 = arith.constant 0 : i32
      %dma_wait3A_165 = tpu.memref_slice %arg15[%dma_wait3A_163, %dma_wait3A_164] : memref<10112x128xf32, #tpu.memory_space<vmem_shared>> -> memref<80x128xf32, #tpu.memory_space<vmem_shared>>
      %dma_wait3A_166 = arith.constant 0 : i32
      %dma_wait3A_167 = arith.constant 0 : i32
      %dma_wait3A_168 = tpu.memref_slice %arg15[%dma_wait3A_166, %dma_wait3A_167] : memref<10112x128xf32, #tpu.memory_space<vmem_shared>> -> memref<80x128xf32, #tpu.memory_space<vmem_shared>>
      tpu.wait_dma2 semaphore(%arg25 : memref<!tpu.dma_semaphore, #tpu.memory_space<semaphore_mem>>) src(%arg12 : memref<80x128xf32, #tpu.memory_space<vmem>>) dst(%dma_wait3A_168 : memref<80x128xf32, #tpu.memory_space<vmem_shared>>)
      %add3A_169 = arith.constant 1 : i32
      %add3A_170 = arith.addi %add3A_92, %add3A_169 : i32
      %add3A_171 = arith.constant 4 : i32
      %add3A_172 = arith.addi %add3A_170, %add3A_171 : i32
      %dma_start3A_173 = arith.constant 0 : i32
      %dma_start3A_174 = arith.constant 0 : i32
      %dma_start3A_175 = tpu.memref_slice %arg2[%add3A_172, %dma_start3A_173, %dma_start3A_174] : memref<4004x2x80xi32, #tpu.memory_space<hbm>> -> memref<1x2x80xi32, #tpu.memory_space<hbm>>
      %dma_start3A_176 = tpu.memref_squeeze %dma_start3A_175 : memref<1x2x80xi32, #tpu.memory_space<hbm>> -> memref<2x80xi32, #tpu.memory_space<hbm>>
      %dma_start3A_177 = arith.constant 0 : i32
      %dma_start3A_178 = arith.constant 0 : i32
      %dma_start3A_179 = tpu.memref_slice %arg2[%add3A_172, %dma_start3A_177, %dma_start3A_178] : memref<4004x2x80xi32, #tpu.memory_space<hbm>> -> memref<1x2x80xi32, #tpu.memory_space<hbm>>
      %dma_start3A_180 = tpu.memref_squeeze %dma_start3A_179 : memref<1x2x80xi32, #tpu.memory_space<hbm>> -> memref<2x80xi32, #tpu.memory_space<hbm>>
      tpu.enqueue_dma source(%dma_start3A_180 : memref<2x80xi32, #tpu.memory_space<hbm>>) target(%arg8 : memref<2x80xi32, #tpu.memory_space<vmem>>) target_semaphore(%arg17 : memref<!tpu.dma_semaphore, #tpu.memory_space<semaphore_mem>>)
      %dma_wait3A_181 = arith.constant 0 : i32
      %dma_wait3A_182 = arith.constant 0 : i32
      %dma_wait3A_183 = tpu.memref_slice %arg15[%dma_wait3A_181, %dma_wait3A_182] : memref<10112x128xf32, #tpu.memory_space<vmem_shared>> -> memref<80x128xf32, #tpu.memory_space<vmem_shared>>
      %dma_wait3A_184 = arith.constant 0 : i32
      %dma_wait3A_185 = arith.constant 0 : i32
      %dma_wait3A_186 = tpu.memref_slice %arg15[%dma_wait3A_184, %dma_wait3A_185] : memref<10112x128xf32, #tpu.memory_space<vmem_shared>> -> memref<80x128xf32, #tpu.memory_space<vmem_shared>>
      tpu.wait_dma2 semaphore(%arg26 : memref<!tpu.dma_semaphore, #tpu.memory_space<semaphore_mem>>) src(%arg13 : memref<80x128xf32, #tpu.memory_space<vmem>>) dst(%dma_wait3A_186 : memref<80x128xf32, #tpu.memory_space<vmem_shared>>)
      %add3A_187 = arith.constant 2 : i32
      %add3A_188 = arith.addi %add3A_92, %add3A_187 : i32
      %add3A_189 = arith.constant 4 : i32
      %add3A_190 = arith.addi %add3A_188, %add3A_189 : i32
      %dma_start3A_191 = arith.constant 0 : i32
      %dma_start3A_192 = arith.constant 0 : i32
      %dma_start3A_193 = tpu.memref_slice %arg2[%add3A_190, %dma_start3A_191, %dma_start3A_192] : memref<4004x2x80xi32, #tpu.memory_space<hbm>> -> memref<1x2x80xi32, #tpu.memory_space<hbm>>
      %dma_start3A_194 = tpu.memref_squeeze %dma_start3A_193 : memref<1x2x80xi32, #tpu.memory_space<hbm>> -> memref<2x80xi32, #tpu.memory_space<hbm>>
      %dma_start3A_195 = arith.constant 0 : i32
      %dma_start3A_196 = arith.constant 0 : i32
      %dma_start3A_197 = tpu.memref_slice %arg2[%add3A_190, %dma_start3A_195, %dma_start3A_196] : memref<4004x2x80xi32, #tpu.memory_space<hbm>> -> memref<1x2x80xi32, #tpu.memory_space<hbm>>
      %dma_start3A_198 = tpu.memref_squeeze %dma_start3A_197 : memref<1x2x80xi32, #tpu.memory_space<hbm>> -> memref<2x80xi32, #tpu.memory_space<hbm>>
      tpu.enqueue_dma source(%dma_start3A_198 : memref<2x80xi32, #tpu.memory_space<hbm>>) target(%arg9 : memref<2x80xi32, #tpu.memory_space<vmem>>) target_semaphore(%arg18 : memref<!tpu.dma_semaphore, #tpu.memory_space<semaphore_mem>>)
      %dma_wait3A_199 = arith.constant 0 : i32
      %dma_wait3A_200 = arith.constant 0 : i32
      %dma_wait3A_201 = tpu.memref_slice %arg15[%dma_wait3A_199, %dma_wait3A_200] : memref<10112x128xf32, #tpu.memory_space<vmem_shared>> -> memref<80x128xf32, #tpu.memory_space<vmem_shared>>
      %dma_wait3A_202 = arith.constant 0 : i32
      %dma_wait3A_203 = arith.constant 0 : i32
      %dma_wait3A_204 = tpu.memref_slice %arg15[%dma_wait3A_202, %dma_wait3A_203] : memref<10112x128xf32, #tpu.memory_space<vmem_shared>> -> memref<80x128xf32, #tpu.memory_space<vmem_shared>>
      tpu.wait_dma2 semaphore(%arg27 : memref<!tpu.dma_semaphore, #tpu.memory_space<semaphore_mem>>) src(%arg14 : memref<80x128xf32, #tpu.memory_space<vmem>>) dst(%dma_wait3A_204 : memref<80x128xf32, #tpu.memory_space<vmem_shared>>)
      %add3A_205 = arith.constant 3 : i32
      %add3A_206 = arith.addi %add3A_92, %add3A_205 : i32
      %add3A_207 = arith.constant 4 : i32
      %add3A_208 = arith.addi %add3A_206, %add3A_207 : i32
      %dma_start3A_209 = arith.constant 0 : i32
      %dma_start3A_210 = arith.constant 0 : i32
      %dma_start3A_211 = tpu.memref_slice %arg2[%add3A_208, %dma_start3A_209, %dma_start3A_210] : memref<4004x2x80xi32, #tpu.memory_space<hbm>> -> memref<1x2x80xi32, #tpu.memory_space<hbm>>
      %dma_start3A_212 = tpu.memref_squeeze %dma_start3A_211 : memref<1x2x80xi32, #tpu.memory_space<hbm>> -> memref<2x80xi32, #tpu.memory_space<hbm>>
      %dma_start3A_213 = arith.constant 0 : i32
      %dma_start3A_214 = arith.constant 0 : i32
      %dma_start3A_215 = tpu.memref_slice %arg2[%add3A_208, %dma_start3A_213, %dma_start3A_214] : memref<4004x2x80xi32, #tpu.memory_space<hbm>> -> memref<1x2x80xi32, #tpu.memory_space<hbm>>
      %dma_start3A_216 = tpu.memref_squeeze %dma_start3A_215 : memref<1x2x80xi32, #tpu.memory_space<hbm>> -> memref<2x80xi32, #tpu.memory_space<hbm>>
      tpu.enqueue_dma source(%dma_start3A_216 : memref<2x80xi32, #tpu.memory_space<hbm>>) target(%arg10 : memref<2x80xi32, #tpu.memory_space<vmem>>) target_semaphore(%arg19 : memref<!tpu.dma_semaphore, #tpu.memory_space<semaphore_mem>>)
      %dma_wait3A_217 = arith.constant 0 : i32
      %dma_wait3A_218 = arith.constant 0 : i32
      %dma_wait3A_219 = arith.constant 0 : i32
      %dma_wait3A_220 = tpu.memref_slice %arg2[%dma_wait3A_217, %dma_wait3A_218, %dma_wait3A_219] : memref<4004x2x80xi32, #tpu.memory_space<hbm>> -> memref<1x2x80xi32, #tpu.memory_space<hbm>>
      %dma_wait3A_221 = tpu.memref_squeeze %dma_wait3A_220 : memref<1x2x80xi32, #tpu.memory_space<hbm>> -> memref<2x80xi32, #tpu.memory_space<hbm>>
      %dma_wait3A_222 = arith.constant 0 : i32
      %dma_wait3A_223 = arith.constant 0 : i32
      %dma_wait3A_224 = tpu.memref_slice %arg2[%dma_wait3A_217, %dma_wait3A_222, %dma_wait3A_223] : memref<4004x2x80xi32, #tpu.memory_space<hbm>> -> memref<1x2x80xi32, #tpu.memory_space<hbm>>
      %dma_wait3A_225 = tpu.memref_squeeze %dma_wait3A_224 : memref<1x2x80xi32, #tpu.memory_space<hbm>> -> memref<2x80xi32, #tpu.memory_space<hbm>>
      tpu.wait_dma2 semaphore(%arg16 : memref<!tpu.dma_semaphore, #tpu.memory_space<semaphore_mem>>) src(%dma_wait3A_225 : memref<2x80xi32, #tpu.memory_space<hbm>>) dst(%arg7 : memref<2x80xi32, #tpu.memory_space<vmem>>)
      %dma_start3A_226 = arith.constant 0 : i32
      %dma_start3A_227 = arith.constant 0 : i32
      %dma_start3A_228 = tpu.memref_slice %arg7[%dma_start3A_226, %dma_start3A_227] : memref<2x80xi32, #tpu.memory_space<vmem>> -> memref<1x80xi32, #tpu.memory_space<vmem>>
      %dma_start3A_229 = tpu.memref_squeeze %dma_start3A_228 : memref<1x80xi32, #tpu.memory_space<vmem>> -> memref<80xi32, #tpu.memory_space<vmem>>
      %dma_start3A_230 = arith.constant 0 : i32
      %dma_start3A_231 = arith.constant 0 : i32
      %dma_start3A_232 = tpu.memref_slice %arg3[%dma_start3A_230, %dma_start3A_231] : memref<10000x128xf32, #tpu.memory_space<hbm>> -> memref<10000x128xf32, #tpu.memory_space<hbm>>
      tpu.enqueue_indirect_dma source(%dma_start3A_232 : memref<10000x128xf32, #tpu.memory_space<hbm>>) target(%arg11 : memref<80x128xf32, #tpu.memory_space<vmem>>) offsets(%dma_start3A_229 : memref<80xi32, #tpu.memory_space<vmem>>) semaphore(%arg20 : memref<!tpu.dma_semaphore, #tpu.memory_space<semaphore_mem>>)
      %dma_wait3A_233 = arith.constant 0 : i32
      %dma_wait3A_234 = arith.constant 0 : i32
      %dma_wait3A_235 = arith.constant 0 : i32
      %dma_wait3A_236 = tpu.memref_slice %arg2[%dma_wait3A_233, %dma_wait3A_234, %dma_wait3A_235] : memref<4004x2x80xi32, #tpu.memory_space<hbm>> -> memref<1x2x80xi32, #tpu.memory_space<hbm>>
      %dma_wait3A_237 = tpu.memref_squeeze %dma_wait3A_236 : memref<1x2x80xi32, #tpu.memory_space<hbm>> -> memref<2x80xi32, #tpu.memory_space<hbm>>
      %dma_wait3A_238 = arith.constant 0 : i32
      %dma_wait3A_239 = arith.constant 0 : i32
      %dma_wait3A_240 = tpu.memref_slice %arg2[%dma_wait3A_233, %dma_wait3A_238, %dma_wait3A_239] : memref<4004x2x80xi32, #tpu.memory_space<hbm>> -> memref<1x2x80xi32, #tpu.memory_space<hbm>>
      %dma_wait3A_241 = tpu.memref_squeeze %dma_wait3A_240 : memref<1x2x80xi32, #tpu.memory_space<hbm>> -> memref<2x80xi32, #tpu.memory_space<hbm>>
      tpu.wait_dma2 semaphore(%arg17 : memref<!tpu.dma_semaphore, #tpu.memory_space<semaphore_mem>>) src(%dma_wait3A_241 : memref<2x80xi32, #tpu.memory_space<hbm>>) dst(%arg8 : memref<2x80xi32, #tpu.memory_space<vmem>>)
      %dma_start3A_242 = arith.constant 0 : i32
      %dma_start3A_243 = arith.constant 0 : i32
      %dma_start3A_244 = tpu.memref_slice %arg8[%dma_start3A_242, %dma_start3A_243] : memref<2x80xi32, #tpu.memory_space<vmem>> -> memref<1x80xi32, #tpu.memory_space<vmem>>
      %dma_start3A_245 = tpu.memref_squeeze %dma_start3A_244 : memref<1x80xi32, #tpu.memory_space<vmem>> -> memref<80xi32, #tpu.memory_space<vmem>>
      %dma_start3A_246 = arith.constant 0 : i32
      %dma_start3A_247 = arith.constant 0 : i32
      %dma_start3A_248 = tpu.memref_slice %arg3[%dma_start3A_246, %dma_start3A_247] : memref<10000x128xf32, #tpu.memory_space<hbm>> -> memref<10000x128xf32, #tpu.memory_space<hbm>>
      tpu.enqueue_indirect_dma source(%dma_start3A_248 : memref<10000x128xf32, #tpu.memory_space<hbm>>) target(%arg12 : memref<80x128xf32, #tpu.memory_space<vmem>>) offsets(%dma_start3A_245 : memref<80xi32, #tpu.memory_space<vmem>>) semaphore(%arg21 : memref<!tpu.dma_semaphore, #tpu.memory_space<semaphore_mem>>)
      %dma_wait3A_249 = arith.constant 0 : i32
      %dma_wait3A_250 = arith.constant 0 : i32
      %dma_wait3A_251 = arith.constant 0 : i32
      %dma_wait3A_252 = tpu.memref_slice %arg2[%dma_wait3A_249, %dma_wait3A_250, %dma_wait3A_251] : memref<4004x2x80xi32, #tpu.memory_space<hbm>> -> memref<1x2x80xi32, #tpu.memory_space<hbm>>
      %dma_wait3A_253 = tpu.memref_squeeze %dma_wait3A_252 : memref<1x2x80xi32, #tpu.memory_space<hbm>> -> memref<2x80xi32, #tpu.memory_space<hbm>>
      %dma_wait3A_254 = arith.constant 0 : i32
      %dma_wait3A_255 = arith.constant 0 : i32
      %dma_wait3A_256 = tpu.memref_slice %arg2[%dma_wait3A_249, %dma_wait3A_254, %dma_wait3A_255] : memref<4004x2x80xi32, #tpu.memory_space<hbm>> -> memref<1x2x80xi32, #tpu.memory_space<hbm>>
      %dma_wait3A_257 = tpu.memref_squeeze %dma_wait3A_256 : memref<1x2x80xi32, #tpu.memory_space<hbm>> -> memref<2x80xi32, #tpu.memory_space<hbm>>
      tpu.wait_dma2 semaphore(%arg18 : memref<!tpu.dma_semaphore, #tpu.memory_space<semaphore_mem>>) src(%dma_wait3A_257 : memref<2x80xi32, #tpu.memory_space<hbm>>) dst(%arg9 : memref<2x80xi32, #tpu.memory_space<vmem>>)
      %dma_start3A_258 = arith.constant 0 : i32
      %dma_start3A_259 = arith.constant 0 : i32
      %dma_start3A_260 = tpu.memref_slice %arg9[%dma_start3A_258, %dma_start3A_259] : memref<2x80xi32, #tpu.memory_space<vmem>> -> memref<1x80xi32, #tpu.memory_space<vmem>>
      %dma_start3A_261 = tpu.memref_squeeze %dma_start3A_260 : memref<1x80xi32, #tpu.memory_space<vmem>> -> memref<80xi32, #tpu.memory_space<vmem>>
      %dma_start3A_262 = arith.constant 0 : i32
      %dma_start3A_263 = arith.constant 0 : i32
      %dma_start3A_264 = tpu.memref_slice %arg3[%dma_start3A_262, %dma_start3A_263] : memref<10000x128xf32, #tpu.memory_space<hbm>> -> memref<10000x128xf32, #tpu.memory_space<hbm>>
      tpu.enqueue_indirect_dma source(%dma_start3A_264 : memref<10000x128xf32, #tpu.memory_space<hbm>>) target(%arg13 : memref<80x128xf32, #tpu.memory_space<vmem>>) offsets(%dma_start3A_261 : memref<80xi32, #tpu.memory_space<vmem>>) semaphore(%arg22 : memref<!tpu.dma_semaphore, #tpu.memory_space<semaphore_mem>>)
      %dma_wait3A_265 = arith.constant 0 : i32
      %dma_wait3A_266 = arith.constant 0 : i32
      %dma_wait3A_267 = arith.constant 0 : i32
      %dma_wait3A_268 = tpu.memref_slice %arg2[%dma_wait3A_265, %dma_wait3A_266, %dma_wait3A_267] : memref<4004x2x80xi32, #tpu.memory_space<hbm>> -> memref<1x2x80xi32, #tpu.memory_space<hbm>>
      %dma_wait3A_269 = tpu.memref_squeeze %dma_wait3A_268 : memref<1x2x80xi32, #tpu.memory_space<hbm>> -> memref<2x80xi32, #tpu.memory_space<hbm>>
      %dma_wait3A_270 = arith.constant 0 : i32
      %dma_wait3A_271 = arith.constant 0 : i32
      %dma_wait3A_272 = tpu.memref_slice %arg2[%dma_wait3A_265, %dma_wait3A_270, %dma_wait3A_271] : memref<4004x2x80xi32, #tpu.memory_space<hbm>> -> memref<1x2x80xi32, #tpu.memory_space<hbm>>
      %dma_wait3A_273 = tpu.memref_squeeze %dma_wait3A_272 : memref<1x2x80xi32, #tpu.memory_space<hbm>> -> memref<2x80xi32, #tpu.memory_space<hbm>>
      tpu.wait_dma2 semaphore(%arg19 : memref<!tpu.dma_semaphore, #tpu.memory_space<semaphore_mem>>) src(%dma_wait3A_273 : memref<2x80xi32, #tpu.memory_space<hbm>>) dst(%arg10 : memref<2x80xi32, #tpu.memory_space<vmem>>)
      %dma_start3A_274 = arith.constant 0 : i32
      %dma_start3A_275 = arith.constant 0 : i32
      %dma_start3A_276 = tpu.memref_slice %arg10[%dma_start3A_274, %dma_start3A_275] : memref<2x80xi32, #tpu.memory_space<vmem>> -> memref<1x80xi32, #tpu.memory_space<vmem>>
      %dma_start3A_277 = tpu.memref_squeeze %dma_start3A_276 : memref<1x80xi32, #tpu.memory_space<vmem>> -> memref<80xi32, #tpu.memory_space<vmem>>
      %dma_start3A_278 = arith.constant 0 : i32
      %dma_start3A_279 = arith.constant 0 : i32
      %dma_start3A_280 = tpu.memref_slice %arg3[%dma_start3A_278, %dma_start3A_279] : memref<10000x128xf32, #tpu.memory_space<hbm>> -> memref<10000x128xf32, #tpu.memory_space<hbm>>
      tpu.enqueue_indirect_dma source(%dma_start3A_280 : memref<10000x128xf32, #tpu.memory_space<hbm>>) target(%arg14 : memref<80x128xf32, #tpu.memory_space<vmem>>) offsets(%dma_start3A_277 : memref<80xi32, #tpu.memory_space<vmem>>) semaphore(%arg23 : memref<!tpu.dma_semaphore, #tpu.memory_space<semaphore_mem>>)
    }
    %scan3A_44 = arith.constant 31 : i32
    %dma_wait3A = arith.constant 0 : i32
    %dma_wait3A_45 = arith.constant 0 : i32
    %dma_wait3A_46 = tpu.memref_slice %arg3[%dma_wait3A, %dma_wait3A_45] : memref<10000x128xf32, #tpu.memory_space<hbm>> -> memref<80x128xf32, #tpu.memory_space<hbm>>
    %dma_wait3A_47 = arith.constant 0 : i32
    %dma_wait3A_48 = arith.constant 0 : i32
    %dma_wait3A_49 = tpu.memref_slice %arg3[%dma_wait3A_47, %dma_wait3A_48] : memref<10000x128xf32, #tpu.memory_space<hbm>> -> memref<80x128xf32, #tpu.memory_space<hbm>>
    tpu.wait_dma2 semaphore(%arg20 : memref<!tpu.dma_semaphore, #tpu.memory_space<semaphore_mem>>) src(%dma_wait3A_49 : memref<80x128xf32, #tpu.memory_space<hbm>>) dst(%arg11 : memref<80x128xf32, #tpu.memory_space<vmem>>)
    %dma_start3A_50 = arith.constant 1 : i32
    %dma_start3A_51 = arith.constant 0 : i32
    %dma_start3A_52 = tpu.memref_slice %arg7[%dma_start3A_50, %dma_start3A_51] : memref<2x80xi32, #tpu.memory_space<vmem>> -> memref<1x80xi32, #tpu.memory_space<vmem>>
    %dma_start3A_53 = tpu.memref_squeeze %dma_start3A_52 : memref<1x80xi32, #tpu.memory_space<vmem>> -> memref<80xi32, #tpu.memory_space<vmem>>
    %dma_start3A_54 = arith.constant 0 : i32
    %dma_start3A_55 = arith.constant 0 : i32
    %dma_start3A_56 = tpu.memref_slice %arg15[%dma_start3A_54, %dma_start3A_55] : memref<10112x128xf32, #tpu.memory_space<vmem_shared>> -> memref<10112x128xf32, #tpu.memory_space<vmem_shared>>
    tpu.enqueue_indirect_dma source(%arg11 : memref<80x128xf32, #tpu.memory_space<vmem>>) target(%dma_start3A_56 : memref<10112x128xf32, #tpu.memory_space<vmem_shared>>) offsets(%dma_start3A_53 : memref<80xi32, #tpu.memory_space<vmem>>) semaphore(%arg24 : memref<!tpu.dma_semaphore, #tpu.memory_space<semaphore_mem>>) {add = true}
    %dma_wait3A_57 = arith.constant 0 : i32
    %dma_wait3A_58 = arith.constant 0 : i32
    %dma_wait3A_59 = tpu.memref_slice %arg3[%dma_wait3A_57, %dma_wait3A_58] : memref<10000x128xf32, #tpu.memory_space<hbm>> -> memref<80x128xf32, #tpu.memory_space<hbm>>
    %dma_wait3A_60 = arith.constant 0 : i32
    %dma_wait3A_61 = arith.constant 0 : i32
    %dma_wait3A_62 = tpu.memref_slice %arg3[%dma_wait3A_60, %dma_wait3A_61] : memref<10000x128xf32, #tpu.memory_space<hbm>> -> memref<80x128xf32, #tpu.memory_space<hbm>>
    tpu.wait_dma2 semaphore(%arg21 : memref<!tpu.dma_semaphore, #tpu.memory_space<semaphore_mem>>) src(%dma_wait3A_62 : memref<80x128xf32, #tpu.memory_space<hbm>>) dst(%arg12 : memref<80x128xf32, #tpu.memory_space<vmem>>)
    %dma_wait3A_63 = arith.constant 0 : i32
    %dma_wait3A_64 = arith.constant 0 : i32
    %dma_wait3A_65 = tpu.memref_slice %arg3[%dma_wait3A_63, %dma_wait3A_64] : memref<10000x128xf32, #tpu.memory_space<hbm>> -> memref<80x128xf32, #tpu.memory_space<hbm>>
    %dma_wait3A_66 = arith.constant 0 : i32
    %dma_wait3A_67 = arith.constant 0 : i32
    %dma_wait3A_68 = tpu.memref_slice %arg3[%dma_wait3A_66, %dma_wait3A_67] : memref<10000x128xf32, #tpu.memory_space<hbm>> -> memref<80x128xf32, #tpu.memory_space<hbm>>
    tpu.wait_dma2 semaphore(%arg22 : memref<!tpu.dma_semaphore, #tpu.memory_space<semaphore_mem>>) src(%dma_wait3A_68 : memref<80x128xf32, #tpu.memory_space<hbm>>) dst(%arg13 : memref<80x128xf32, #tpu.memory_space<vmem>>)
    %dma_wait3A_69 = arith.constant 0 : i32
    %dma_wait3A_70 = arith.constant 0 : i32
    %dma_wait3A_71 = tpu.memref_slice %arg3[%dma_wait3A_69, %dma_wait3A_70] : memref<10000x128xf32, #tpu.memory_space<hbm>> -> memref<80x128xf32, #tpu.memory_space<hbm>>
    %dma_wait3A_72 = arith.constant 0 : i32
    %dma_wait3A_73 = arith.constant 0 : i32
    %dma_wait3A_74 = tpu.memref_slice %arg3[%dma_wait3A_72, %dma_wait3A_73] : memref<10000x128xf32, #tpu.memory_space<hbm>> -> memref<80x128xf32, #tpu.memory_space<hbm>>
    tpu.wait_dma2 semaphore(%arg23 : memref<!tpu.dma_semaphore, #tpu.memory_space<semaphore_mem>>) src(%dma_wait3A_74 : memref<80x128xf32, #tpu.memory_space<hbm>>) dst(%arg14 : memref<80x128xf32, #tpu.memory_space<vmem>>)
    %dma_wait3A_75 = arith.constant 0 : i32
    %dma_wait3A_76 = arith.constant 0 : i32
    %dma_wait3A_77 = tpu.memref_slice %arg15[%dma_wait3A_75, %dma_wait3A_76] : memref<10112x128xf32, #tpu.memory_space<vmem_shared>> -> memref<80x128xf32, #tpu.memory_space<vmem_shared>>
    %dma_wait3A_78 = arith.constant 0 : i32
    %dma_wait3A_79 = arith.constant 0 : i32
    %dma_wait3A_80 = tpu.memref_slice %arg15[%dma_wait3A_78, %dma_wait3A_79] : memref<10112x128xf32, #tpu.memory_space<vmem_shared>> -> memref<80x128xf32, #tpu.memory_space<vmem_shared>>
    tpu.wait_dma2 semaphore(%arg24 : memref<!tpu.dma_semaphore, #tpu.memory_space<semaphore_mem>>) src(%arg11 : memref<80x128xf32, #tpu.memory_space<vmem>>) dst(%dma_wait3A_80 : memref<80x128xf32, #tpu.memory_space<vmem_shared>>)
    %barrier3A_81 = arith.constant 0 : index
    tpu.barrier barrier_id(%barrier3A_81)
    %eq3A = arith.constant 0 : i32
    %eq3A_82 = arith.cmpi eq, %arg0, %eq3A : i32
    %convert_element_type3A = arith.extui %eq3A_82 : i1 to i32
    %cond3A = arith.constant 0 : i32
    %cond3A_83 = arith.cmpi ne, %convert_element_type3A, %cond3A : i32
    scf.if %cond3A_83 {
      %mul3A_89 = arith.constant 632 : i32
      %mul3A_90 = arith.muli %arg1, %mul3A_89 : i32
      %mul3A_91 = arith.constant 632 : i32
      %mul3A_92 = arith.muli %arg1, %mul3A_91 : i32
      "tpu.region"() ({
        %run_scoped3A = tpu.sem_alloc : memref<!tpu.dma_semaphore, #tpu.memory_space<semaphore_mem>>
        %dma_start3A_93 = arith.constant 0 : i32
        %dma_start3A_94 = tpu.memref_slice %arg5[%mul3A_92, %dma_start3A_93] : memref<10112x128xf32, #tpu.memory_space<hbm>> -> memref<632x128xf32, #tpu.memory_space<hbm>>
        %dma_start3A_95 = arith.constant 0 : i32
        %dma_start3A_96 = tpu.memref_slice %arg15[%mul3A_90, %dma_start3A_95] : memref<10112x128xf32, #tpu.memory_space<vmem_shared>> -> memref<632x128xf32, #tpu.memory_space<vmem_shared>>
        tpu.enqueue_dma source(%dma_start3A_96 : memref<632x128xf32, #tpu.memory_space<vmem_shared>>) target(%dma_start3A_94 : memref<632x128xf32, #tpu.memory_space<hbm>>) target_semaphore(%run_scoped3A : memref<!tpu.dma_semaphore, #tpu.memory_space<semaphore_mem>>)
        %dma_wait3A_97 = arith.constant 0 : i32
        %dma_wait3A_98 = tpu.memref_slice %arg5[%mul3A_92, %dma_wait3A_97] : memref<10112x128xf32, #tpu.memory_space<hbm>> -> memref<632x128xf32, #tpu.memory_space<hbm>>
        %dma_wait3A_99 = arith.constant 0 : i32
        %dma_wait3A_100 = tpu.memref_slice %arg15[%mul3A_90, %dma_wait3A_99] : memref<10112x128xf32, #tpu.memory_space<vmem_shared>> -> memref<632x128xf32, #tpu.memory_space<vmem_shared>>
        tpu.wait_dma2 semaphore(%run_scoped3A : memref<!tpu.dma_semaphore, #tpu.memory_space<semaphore_mem>>) src(%dma_wait3A_100 : memref<632x128xf32, #tpu.memory_space<vmem_shared>>) dst(%dma_wait3A_98 : memref<632x128xf32, #tpu.memory_space<hbm>>)
        tpu.yield
      }) : () -> ()
    } else {
    }
    %eq3A_84 = arith.constant 1 : i32
    %eq3A_85 = arith.cmpi eq, %arg0, %eq3A_84 : i32
    %convert_element_type3A_86 = arith.extui %eq3A_85 : i1 to i32
    %cond3A_87 = arith.constant 0 : i32
    %cond3A_88 = arith.cmpi ne, %convert_element_type3A_86, %cond3A_87 : i32
    scf.if %cond3A_88 {
      %mul3A_89 = arith.constant 632 : i32
      %mul3A_90 = arith.muli %arg1, %mul3A_89 : i32
      %mul3A_91 = arith.constant 632 : i32
      %mul3A_92 = arith.muli %arg1, %mul3A_91 : i32
      "tpu.region"() ({
        %run_scoped3A = tpu.sem_alloc : memref<!tpu.dma_semaphore, #tpu.memory_space<semaphore_mem>>
        %dma_start3A_93 = arith.constant 0 : i32
        %dma_start3A_94 = tpu.memref_slice %arg6[%mul3A_92, %dma_start3A_93] : memref<10112x128xf32, #tpu.memory_space<hbm>> -> memref<632x128xf32, #tpu.memory_space<hbm>>
        %dma_start3A_95 = arith.constant 0 : i32
        %dma_start3A_96 = tpu.memref_slice %arg15[%mul3A_90, %dma_start3A_95] : memref<10112x128xf32, #tpu.memory_space<vmem_shared>> -> memref<632x128xf32, #tpu.memory_space<vmem_shared>>
        tpu.enqueue_dma source(%dma_start3A_96 : memref<632x128xf32, #tpu.memory_space<vmem_shared>>) target(%dma_start3A_94 : memref<632x128xf32, #tpu.memory_space<hbm>>) target_semaphore(%run_scoped3A : memref<!tpu.dma_semaphore, #tpu.memory_space<semaphore_mem>>)
        %dma_wait3A_97 = arith.constant 0 : i32
        %dma_wait3A_98 = tpu.memref_slice %arg6[%mul3A_92, %dma_wait3A_97] : memref<10112x128xf32, #tpu.memory_space<hbm>> -> memref<632x128xf32, #tpu.memory_space<hbm>>
        %dma_wait3A_99 = arith.constant 0 : i32
        %dma_wait3A_100 = tpu.memref_slice %arg15[%mul3A_90, %dma_wait3A_99] : memref<10112x128xf32, #tpu.memory_space<vmem_shared>> -> memref<632x128xf32, #tpu.memory_space<vmem_shared>>
        tpu.wait_dma2 semaphore(%run_scoped3A : memref<!tpu.dma_semaphore, #tpu.memory_space<semaphore_mem>>) src(%dma_wait3A_100 : memref<632x128xf32, #tpu.memory_space<vmem_shared>>) dst(%dma_wait3A_98 : memref<632x128xf32, #tpu.memory_space<hbm>>)
        tpu.yield
      }) : () -> ()
    } else {
    }
    return
  }
}

#map = affine_map<(d0, d1) -> (0, 0)>
#map1 = affine_map<(d0, d1) -> (0)>
module attributes {stable_mosaic.version = 14 : i64} {
  func.func @sc_loss(%arg0: i32, %arg1: i32, %arg2: memref<10112x128xf32, #tpu.memory_space<hbm>>, %arg3: memref<10112x128xf32, #tpu.memory_space<hbm>>, %arg4: memref<10000x128xf32, #tpu.memory_space<hbm>>, %arg5: memref<5120xi32, #tpu.memory_space<hbm>>, %arg6: memref<128xf32, #tpu.memory_space<hbm>>, %arg7: memref<512xf32, #tpu.memory_space<hbm>>, %arg8: memref<80xi32, #tpu.memory_space<vmem>>, %arg9: memref<80xi32, #tpu.memory_space<vmem>>, %arg10: memref<80x128xf32, #tpu.memory_space<vmem>>, %arg11: memref<80x128xf32, #tpu.memory_space<vmem>>, %arg12: memref<80x128xf32, #tpu.memory_space<vmem>>, %arg13: memref<80x128xf32, #tpu.memory_space<vmem>>, %arg14: memref<80x128xf32, #tpu.memory_space<vmem>>, %arg15: memref<80x128xf32, #tpu.memory_space<vmem>>, %arg16: memref<128xf32, #tpu.memory_space<vmem>>, %arg17: memref<16xf32, #tpu.memory_space<vmem>>, %arg18: memref<!tpu.dma_semaphore, #tpu.memory_space<semaphore_mem>>, %arg19: memref<!tpu.dma_semaphore, #tpu.memory_space<semaphore_mem>>) attributes {dimension_semantics = [#tpu.dimension_semantics<core_parallel>, #tpu.dimension_semantics<subcore_parallel>], iteration_bounds = array<i64: 2, 16>, scalar_prefetch = 0 : i64, scratch_operands = 12 : i64, tpu.core_type = #tpu.core_type<sc_vector_subcore>, window_params = [{transform_indices = #map}, {transform_indices = #map}, {transform_indices = #map}, {transform_indices = #map1}, {transform_indices = #map1}, {transform_indices = #map1}]} {
    %mul3A = arith.constant 16 : i32
    %mul3A_0 = arith.muli %arg0, %mul3A : i32
    %add3A = arith.addi %mul3A_0, %arg1 : i32
    "tpu.region"() ({
      %run_scoped3A = tpu.sem_alloc : memref<!tpu.dma_semaphore, #tpu.memory_space<semaphore_mem>>
      tpu.enqueue_dma source(%arg6 : memref<128xf32, #tpu.memory_space<hbm>>) target(%arg16 : memref<128xf32, #tpu.memory_space<vmem>>) target_semaphore(%run_scoped3A : memref<!tpu.dma_semaphore, #tpu.memory_space<semaphore_mem>>)
      tpu.wait_dma2 semaphore(%run_scoped3A : memref<!tpu.dma_semaphore, #tpu.memory_space<semaphore_mem>>) src(%arg6 : memref<128xf32, #tpu.memory_space<hbm>>) dst(%arg16 : memref<128xf32, #tpu.memory_space<vmem>>)
      tpu.yield
    }) : () -> ()
    %broadcast_in_dim3A = arith.constant 0.000000e+00 : f32
    %broadcast_in_dim3A_1 = vector.broadcast %broadcast_in_dim3A : f32 to vector<16xf32>
    %swap3A = arith.constant 0 : index
    %swap3A_2 = tpu.vector_load %arg17[%swap3A] {strides = array<i32>} : memref<16xf32, #tpu.memory_space<vmem>>, vector<16xf32>,
    %swap3A_3 = vector.shape_cast %swap3A_2 : vector<16xf32> to vector<16xf32>
    %swap3A_4 = vector.shape_cast %broadcast_in_dim3A_1 : vector<16xf32> to vector<16xf32>
    tpu.vector_store %arg17[%swap3A], %swap3A_4 {strides = array<i32>} : memref<16xf32, #tpu.memory_space<vmem>>, vector<16xf32>,
    %mul3A_5 = arith.constant 160 : i32
    %mul3A_6 = arith.muli %add3A, %mul3A_5 : i32
    %add3A_7 = arith.constant 0 : i32
    %add3A_8 = arith.addi %mul3A_6, %add3A_7 : i32
    "tpu.region"() ({
      %run_scoped3A = tpu.sem_alloc : memref<!tpu.dma_semaphore, #tpu.memory_space<semaphore_mem>>
      %dma_start3A_86 = tpu.memref_slice %arg5[%add3A_8] : memref<5120xi32, #tpu.memory_space<hbm>> -> memref<80xi32, #tpu.memory_space<hbm>>
      %dma_start3A_87 = tpu.memref_slice %arg5[%add3A_8] : memref<5120xi32, #tpu.memory_space<hbm>> -> memref<80xi32, #tpu.memory_space<hbm>>
      tpu.enqueue_dma source(%dma_start3A_87 : memref<80xi32, #tpu.memory_space<hbm>>) target(%arg8 : memref<80xi32, #tpu.memory_space<vmem>>) target_semaphore(%run_scoped3A : memref<!tpu.dma_semaphore, #tpu.memory_space<semaphore_mem>>)
      %dma_wait3A_88 = tpu.memref_slice %arg5[%add3A_8] : memref<5120xi32, #tpu.memory_space<hbm>> -> memref<80xi32, #tpu.memory_space<hbm>>
      %dma_wait3A_89 = tpu.memref_slice %arg5[%add3A_8] : memref<5120xi32, #tpu.memory_space<hbm>> -> memref<80xi32, #tpu.memory_space<hbm>>
      tpu.wait_dma2 semaphore(%run_scoped3A : memref<!tpu.dma_semaphore, #tpu.memory_space<semaphore_mem>>) src(%dma_wait3A_89 : memref<80xi32, #tpu.memory_space<hbm>>) dst(%arg8 : memref<80xi32, #tpu.memory_space<vmem>>)
      tpu.yield
    }) : () -> ()
    %dma_start3A = arith.constant 0 : i32
    %dma_start3A_9 = arith.constant 0 : i32
    %dma_start3A_10 = tpu.memref_slice %arg2[%dma_start3A, %dma_start3A_9] : memref<10112x128xf32, #tpu.memory_space<hbm>> -> memref<10112x128xf32, #tpu.memory_space<hbm>>
    tpu.enqueue_indirect_dma source(%dma_start3A_10 : memref<10112x128xf32, #tpu.memory_space<hbm>>) target(%arg10 : memref<80x128xf32, #tpu.memory_space<vmem>>) offsets(%arg8 : memref<80xi32, #tpu.memory_space<vmem>>) semaphore(%arg18 : memref<!tpu.dma_semaphore, #tpu.memory_space<semaphore_mem>>)
    %dma_start3A_11 = arith.constant 0 : i32
    %dma_start3A_12 = arith.constant 0 : i32
    %dma_start3A_13 = tpu.memref_slice %arg3[%dma_start3A_11, %dma_start3A_12] : memref<10112x128xf32, #tpu.memory_space<hbm>> -> memref<10112x128xf32, #tpu.memory_space<hbm>>
    tpu.enqueue_indirect_dma source(%dma_start3A_13 : memref<10112x128xf32, #tpu.memory_space<hbm>>) target(%arg11 : memref<80x128xf32, #tpu.memory_space<vmem>>) offsets(%arg8 : memref<80xi32, #tpu.memory_space<vmem>>) semaphore(%arg18 : memref<!tpu.dma_semaphore, #tpu.memory_space<semaphore_mem>>)
    %dma_start3A_14 = arith.constant 0 : i32
    %dma_start3A_15 = arith.constant 0 : i32
    %dma_start3A_16 = tpu.memref_slice %arg4[%dma_start3A_14, %dma_start3A_15] : memref<10000x128xf32, #tpu.memory_space<hbm>> -> memref<10000x128xf32, #tpu.memory_space<hbm>>
    tpu.enqueue_indirect_dma source(%dma_start3A_16 : memref<10000x128xf32, #tpu.memory_space<hbm>>) target(%arg12 : memref<80x128xf32, #tpu.memory_space<vmem>>) offsets(%arg8 : memref<80xi32, #tpu.memory_space<vmem>>) semaphore(%arg18 : memref<!tpu.dma_semaphore, #tpu.memory_space<semaphore_mem>>)
    %mul3A_17 = arith.constant 160 : i32
    %mul3A_18 = arith.muli %add3A, %mul3A_17 : i32
    %add3A_19 = arith.constant 80 : i32
    %add3A_20 = arith.addi %mul3A_18, %add3A_19 : i32
    "tpu.region"() ({
      %run_scoped3A = tpu.sem_alloc : memref<!tpu.dma_semaphore, #tpu.memory_space<semaphore_mem>>
      %dma_start3A_86 = tpu.memref_slice %arg5[%add3A_20] : memref<5120xi32, #tpu.memory_space<hbm>> -> memref<80xi32, #tpu.memory_space<hbm>>
      %dma_start3A_87 = tpu.memref_slice %arg5[%add3A_20] : memref<5120xi32, #tpu.memory_space<hbm>> -> memref<80xi32, #tpu.memory_space<hbm>>
      tpu.enqueue_dma source(%dma_start3A_87 : memref<80xi32, #tpu.memory_space<hbm>>) target(%arg9 : memref<80xi32, #tpu.memory_space<vmem>>) target_semaphore(%run_scoped3A : memref<!tpu.dma_semaphore, #tpu.memory_space<semaphore_mem>>)
      %dma_wait3A_88 = tpu.memref_slice %arg5[%add3A_20] : memref<5120xi32, #tpu.memory_space<hbm>> -> memref<80xi32, #tpu.memory_space<hbm>>
      %dma_wait3A_89 = tpu.memref_slice %arg5[%add3A_20] : memref<5120xi32, #tpu.memory_space<hbm>> -> memref<80xi32, #tpu.memory_space<hbm>>
      tpu.wait_dma2 semaphore(%run_scoped3A : memref<!tpu.dma_semaphore, #tpu.memory_space<semaphore_mem>>) src(%dma_wait3A_89 : memref<80xi32, #tpu.memory_space<hbm>>) dst(%arg9 : memref<80xi32, #tpu.memory_space<vmem>>)
      tpu.yield
    }) : () -> ()
    %dma_start3A_21 = arith.constant 0 : i32
    %dma_start3A_22 = arith.constant 0 : i32
    %dma_start3A_23 = tpu.memref_slice %arg2[%dma_start3A_21, %dma_start3A_22] : memref<10112x128xf32, #tpu.memory_space<hbm>> -> memref<10112x128xf32, #tpu.memory_space<hbm>>
    tpu.enqueue_indirect_dma source(%dma_start3A_23 : memref<10112x128xf32, #tpu.memory_space<hbm>>) target(%arg13 : memref<80x128xf32, #tpu.memory_space<vmem>>) offsets(%arg9 : memref<80xi32, #tpu.memory_space<vmem>>) semaphore(%arg19 : memref<!tpu.dma_semaphore, #tpu.memory_space<semaphore_mem>>)
    %dma_start3A_24 = arith.constant 0 : i32
    %dma_start3A_25 = arith.constant 0 : i32
    %dma_start3A_26 = tpu.memref_slice %arg3[%dma_start3A_24, %dma_start3A_25] : memref<10112x128xf32, #tpu.memory_space<hbm>> -> memref<10112x128xf32, #tpu.memory_space<hbm>>
    tpu.enqueue_indirect_dma source(%dma_start3A_26 : memref<10112x128xf32, #tpu.memory_space<hbm>>) target(%arg14 : memref<80x128xf32, #tpu.memory_space<vmem>>) offsets(%arg9 : memref<80xi32, #tpu.memory_space<vmem>>) semaphore(%arg19 : memref<!tpu.dma_semaphore, #tpu.memory_space<semaphore_mem>>)
    %dma_start3A_27 = arith.constant 0 : i32
    %dma_start3A_28 = arith.constant 0 : i32
    %dma_start3A_29 = tpu.memref_slice %arg4[%dma_start3A_27, %dma_start3A_28] : memref<10000x128xf32, #tpu.memory_space<hbm>> -> memref<10000x128xf32, #tpu.memory_space<hbm>>
    tpu.enqueue_indirect_dma source(%dma_start3A_29 : memref<10000x128xf32, #tpu.memory_space<hbm>>) target(%arg15 : memref<80x128xf32, #tpu.memory_space<vmem>>) offsets(%arg9 : memref<80xi32, #tpu.memory_space<vmem>>) semaphore(%arg19 : memref<!tpu.dma_semaphore, #tpu.memory_space<semaphore_mem>>)
    %mul3A_30 = arith.constant 160 : i32
    %mul3A_31 = arith.muli %add3A, %mul3A_30 : i32
    %add3A_32 = arith.constant 0 : i32
    %add3A_33 = arith.addi %mul3A_31, %add3A_32 : i32
    %dma_wait3A = arith.constant 0 : i32
    %dma_wait3A_34 = arith.constant 0 : i32
    %dma_wait3A_35 = tpu.memref_slice %arg2[%dma_wait3A, %dma_wait3A_34] : memref<10112x128xf32, #tpu.memory_space<hbm>> -> memref<80x128xf32, #tpu.memory_space<hbm>>
    %dma_wait3A_36 = arith.constant 0 : i32
    %dma_wait3A_37 = arith.constant 0 : i32
    %dma_wait3A_38 = tpu.memref_slice %arg2[%dma_wait3A_36, %dma_wait3A_37] : memref<10112x128xf32, #tpu.memory_space<hbm>> -> memref<80x128xf32, #tpu.memory_space<hbm>>
    tpu.wait_dma2 semaphore(%arg18 : memref<!tpu.dma_semaphore, #tpu.memory_space<semaphore_mem>>) src(%dma_wait3A_38 : memref<80x128xf32, #tpu.memory_space<hbm>>) dst(%arg10 : memref<80x128xf32, #tpu.memory_space<vmem>>)
    %dma_wait3A_39 = arith.constant 0 : i32
    %dma_wait3A_40 = arith.constant 0 : i32
    %dma_wait3A_41 = tpu.memref_slice %arg2[%dma_wait3A_39, %dma_wait3A_40] : memref<10112x128xf32, #tpu.memory_space<hbm>> -> memref<80x128xf32, #tpu.memory_space<hbm>>
    %dma_wait3A_42 = arith.constant 0 : i32
    %dma_wait3A_43 = arith.constant 0 : i32
    %dma_wait3A_44 = tpu.memref_slice %arg2[%dma_wait3A_42, %dma_wait3A_43] : memref<10112x128xf32, #tpu.memory_space<hbm>> -> memref<80x128xf32, #tpu.memory_space<hbm>>
    tpu.wait_dma2 semaphore(%arg18 : memref<!tpu.dma_semaphore, #tpu.memory_space<semaphore_mem>>) src(%dma_wait3A_44 : memref<80x128xf32, #tpu.memory_space<hbm>>) dst(%arg10 : memref<80x128xf32, #tpu.memory_space<vmem>>)
    %dma_wait3A_45 = arith.constant 0 : i32
    %dma_wait3A_46 = arith.constant 0 : i32
    %dma_wait3A_47 = tpu.memref_slice %arg2[%dma_wait3A_45, %dma_wait3A_46] : memref<10112x128xf32, #tpu.memory_space<hbm>> -> memref<80x128xf32, #tpu.memory_space<hbm>>
    %dma_wait3A_48 = arith.constant 0 : i32
    %dma_wait3A_49 = arith.constant 0 : i32
    %dma_wait3A_50 = tpu.memref_slice %arg2[%dma_wait3A_48, %dma_wait3A_49] : memref<10112x128xf32, #tpu.memory_space<hbm>> -> memref<80x128xf32, #tpu.memory_space<hbm>>
    tpu.wait_dma2 semaphore(%arg18 : memref<!tpu.dma_semaphore, #tpu.memory_space<semaphore_mem>>) src(%dma_wait3A_50 : memref<80x128xf32, #tpu.memory_space<hbm>>) dst(%arg10 : memref<80x128xf32, #tpu.memory_space<vmem>>)
    %scan3A = arith.constant 0 : i32
    %scan3A_51 = arith.constant 0 : i32
    %scan3A_52 = arith.constant 80 : i32
    %scan3A_53 = arith.addi %scan3A_51, %scan3A_52 : i32
    %scan3A_54 = arith.constant 1 : i32
    scf.for %scan3A_86 = %scan3A_51 to %scan3A_53 step %scan3A_54  : i32 {
      %add3A_87 = arith.addi %add3A_33, %scan3A_86 : i32
      %lt3A = arith.constant 5000 : i32
      %lt3A_88 = arith.cmpi slt, %add3A_87, %lt3A : i32
      %jit3A = arith.constant 1.000000e+00 : f32
      %jit3A_89 = arith.constant 0.000000e+00 : f32
      %select_n3A = arith.select %lt3A_88, %jit3A, %jit3A_89 : f32
      %broadcast_in_dim3A_90 = vector.broadcast %select_n3A : f32 to vector<16xf32>
      %broadcast_in_dim3A_91 = arith.constant 0.000000e+00 : f32
      %broadcast_in_dim3A_92 = vector.broadcast %broadcast_in_dim3A_91 : f32 to vector<16xf32>
      %get3A = arith.index_cast %scan3A_86 : i32 to index
      %get3A_93 = arith.constant 0 : index
      %get3A_94 = tpu.vector_load %arg10[%get3A, %get3A_93] {strides = array<i32>} : memref<80x128xf32, #tpu.memory_space<vmem>>, vector<1x16xf32>,
      %get3A_95 = vector.shape_cast %get3A_94 : vector<1x16xf32> to vector<16xf32>
      %get3A_96 = arith.index_cast %scan3A_86 : i32 to index
      %get3A_97 = arith.constant 0 : index
      %get3A_98 = tpu.vector_load %arg11[%get3A_96, %get3A_97] {strides = array<i32>} : memref<80x128xf32, #tpu.memory_space<vmem>>, vector<1x16xf32>,
      %get3A_99 = vector.shape_cast %get3A_98 : vector<1x16xf32> to vector<16xf32>
      %add3A_100 = arith.addf %get3A_95, %get3A_99 : vector<16xf32>
      %get3A_101 = arith.constant 0 : index
      %get3A_102 = tpu.vector_load %arg16[%get3A_101] {strides = array<i32>} : memref<128xf32, #tpu.memory_space<vmem>>, vector<16xf32>,
      %get3A_103 = vector.shape_cast %get3A_102 : vector<16xf32> to vector<16xf32>
      %add3A_104 = arith.addf %add3A_100, %get3A_103 : vector<16xf32>
      %get3A_105 = arith.index_cast %scan3A_86 : i32 to index
      %get3A_106 = arith.constant 0 : index
      %get3A_107 = tpu.vector_load %arg12[%get3A_105, %get3A_106] {strides = array<i32>} : memref<80x128xf32, #tpu.memory_space<vmem>>, vector<1x16xf32>,
      %get3A_108 = vector.shape_cast %get3A_107 : vector<1x16xf32> to vector<16xf32>
      %sub3A = arith.subf %add3A_104, %get3A_108 : vector<16xf32>
      %mul3A_109 = arith.mulf %sub3A, %sub3A : vector<16xf32>
      %add3A_110 = arith.addf %broadcast_in_dim3A_92, %mul3A_109 : vector<16xf32>
      %get3A_111 = arith.index_cast %scan3A_86 : i32 to index
      %get3A_112 = arith.constant 16 : index
      %get3A_113 = tpu.vector_load %arg10[%get3A_111, %get3A_112] {strides = array<i32>} : memref<80x128xf32, #tpu.memory_space<vmem>>, vector<1x16xf32>,
      %get3A_114 = vector.shape_cast %get3A_113 : vector<1x16xf32> to vector<16xf32>
      %get3A_115 = arith.index_cast %scan3A_86 : i32 to index
      %get3A_116 = arith.constant 16 : index
      %get3A_117 = tpu.vector_load %arg11[%get3A_115, %get3A_116] {strides = array<i32>} : memref<80x128xf32, #tpu.memory_space<vmem>>, vector<1x16xf32>,
      %get3A_118 = vector.shape_cast %get3A_117 : vector<1x16xf32> to vector<16xf32>
      %add3A_119 = arith.addf %get3A_114, %get3A_118 : vector<16xf32>
      %get3A_120 = arith.constant 16 : index
      %get3A_121 = tpu.vector_load %arg16[%get3A_120] {strides = array<i32>} : memref<128xf32, #tpu.memory_space<vmem>>, vector<16xf32>,
      %get3A_122 = vector.shape_cast %get3A_121 : vector<16xf32> to vector<16xf32>
      %add3A_123 = arith.addf %add3A_119, %get3A_122 : vector<16xf32>
      %get3A_124 = arith.index_cast %scan3A_86 : i32 to index
      %get3A_125 = arith.constant 16 : index
      %get3A_126 = tpu.vector_load %arg12[%get3A_124, %get3A_125] {strides = array<i32>} : memref<80x128xf32, #tpu.memory_space<vmem>>, vector<1x16xf32>,
      %get3A_127 = vector.shape_cast %get3A_126 : vector<1x16xf32> to vector<16xf32>
      %sub3A_128 = arith.subf %add3A_123, %get3A_127 : vector<16xf32>
      %mul3A_129 = arith.mulf %sub3A_128, %sub3A_128 : vector<16xf32>
      %add3A_130 = arith.addf %add3A_110, %mul3A_129 : vector<16xf32>
      %get3A_131 = arith.index_cast %scan3A_86 : i32 to index
      %get3A_132 = arith.constant 32 : index
      %get3A_133 = tpu.vector_load %arg10[%get3A_131, %get3A_132] {strides = array<i32>} : memref<80x128xf32, #tpu.memory_space<vmem>>, vector<1x16xf32>,
      %get3A_134 = vector.shape_cast %get3A_133 : vector<1x16xf32> to vector<16xf32>
      %get3A_135 = arith.index_cast %scan3A_86 : i32 to index
      %get3A_136 = arith.constant 32 : index
      %get3A_137 = tpu.vector_load %arg11[%get3A_135, %get3A_136] {strides = array<i32>} : memref<80x128xf32, #tpu.memory_space<vmem>>, vector<1x16xf32>,
      %get3A_138 = vector.shape_cast %get3A_137 : vector<1x16xf32> to vector<16xf32>
      %add3A_139 = arith.addf %get3A_134, %get3A_138 : vector<16xf32>
      %get3A_140 = arith.constant 32 : index
      %get3A_141 = tpu.vector_load %arg16[%get3A_140] {strides = array<i32>} : memref<128xf32, #tpu.memory_space<vmem>>, vector<16xf32>,
      %get3A_142 = vector.shape_cast %get3A_141 : vector<16xf32> to vector<16xf32>
      %add3A_143 = arith.addf %add3A_139, %get3A_142 : vector<16xf32>
      %get3A_144 = arith.index_cast %scan3A_86 : i32 to index
      %get3A_145 = arith.constant 32 : index
      %get3A_146 = tpu.vector_load %arg12[%get3A_144, %get3A_145] {strides = array<i32>} : memref<80x128xf32, #tpu.memory_space<vmem>>, vector<1x16xf32>,
      %get3A_147 = vector.shape_cast %get3A_146 : vector<1x16xf32> to vector<16xf32>
      %sub3A_148 = arith.subf %add3A_143, %get3A_147 : vector<16xf32>
      %mul3A_149 = arith.mulf %sub3A_148, %sub3A_148 : vector<16xf32>
      %add3A_150 = arith.addf %add3A_130, %mul3A_149 : vector<16xf32>
      %get3A_151 = arith.index_cast %scan3A_86 : i32 to index
      %get3A_152 = arith.constant 48 : index
      %get3A_153 = tpu.vector_load %arg10[%get3A_151, %get3A_152] {strides = array<i32>} : memref<80x128xf32, #tpu.memory_space<vmem>>, vector<1x16xf32>,
      %get3A_154 = vector.shape_cast %get3A_153 : vector<1x16xf32> to vector<16xf32>
      %get3A_155 = arith.index_cast %scan3A_86 : i32 to index
      %get3A_156 = arith.constant 48 : index
      %get3A_157 = tpu.vector_load %arg11[%get3A_155, %get3A_156] {strides = array<i32>} : memref<80x128xf32, #tpu.memory_space<vmem>>, vector<1x16xf32>,
      %get3A_158 = vector.shape_cast %get3A_157 : vector<1x16xf32> to vector<16xf32>
      %add3A_159 = arith.addf %get3A_154, %get3A_158 : vector<16xf32>
      %get3A_160 = arith.constant 48 : index
      %get3A_161 = tpu.vector_load %arg16[%get3A_160] {strides = array<i32>} : memref<128xf32, #tpu.memory_space<vmem>>, vector<16xf32>,
      %get3A_162 = vector.shape_cast %get3A_161 : vector<16xf32> to vector<16xf32>
      %add3A_163 = arith.addf %add3A_159, %get3A_162 : vector<16xf32>
      %get3A_164 = arith.index_cast %scan3A_86 : i32 to index
      %get3A_165 = arith.constant 48 : index
      %get3A_166 = tpu.vector_load %arg12[%get3A_164, %get3A_165] {strides = array<i32>} : memref<80x128xf32, #tpu.memory_space<vmem>>, vector<1x16xf32>,
      %get3A_167 = vector.shape_cast %get3A_166 : vector<1x16xf32> to vector<16xf32>
      %sub3A_168 = arith.subf %add3A_163, %get3A_167 : vector<16xf32>
      %mul3A_169 = arith.mulf %sub3A_168, %sub3A_168 : vector<16xf32>
      %add3A_170 = arith.addf %add3A_150, %mul3A_169 : vector<16xf32>
      %get3A_171 = arith.index_cast %scan3A_86 : i32 to index
      %get3A_172 = arith.constant 64 : index
      %get3A_173 = tpu.vector_load %arg10[%get3A_171, %get3A_172] {strides = array<i32>} : memref<80x128xf32, #tpu.memory_space<vmem>>, vector<1x16xf32>,
      %get3A_174 = vector.shape_cast %get3A_173 : vector<1x16xf32> to vector<16xf32>
      %get3A_175 = arith.index_cast %scan3A_86 : i32 to index
      %get3A_176 = arith.constant 64 : index
      %get3A_177 = tpu.vector_load %arg11[%get3A_175, %get3A_176] {strides = array<i32>} : memref<80x128xf32, #tpu.memory_space<vmem>>, vector<1x16xf32>,
      %get3A_178 = vector.shape_cast %get3A_177 : vector<1x16xf32> to vector<16xf32>
      %add3A_179 = arith.addf %get3A_174, %get3A_178 : vector<16xf32>
      %get3A_180 = arith.constant 64 : index
      %get3A_181 = tpu.vector_load %arg16[%get3A_180] {strides = array<i32>} : memref<128xf32, #tpu.memory_space<vmem>>, vector<16xf32>,
      %get3A_182 = vector.shape_cast %get3A_181 : vector<16xf32> to vector<16xf32>
      %add3A_183 = arith.addf %add3A_179, %get3A_182 : vector<16xf32>
      %get3A_184 = arith.index_cast %scan3A_86 : i32 to index
      %get3A_185 = arith.constant 64 : index
      %get3A_186 = tpu.vector_load %arg12[%get3A_184, %get3A_185] {strides = array<i32>} : memref<80x128xf32, #tpu.memory_space<vmem>>, vector<1x16xf32>,
      %get3A_187 = vector.shape_cast %get3A_186 : vector<1x16xf32> to vector<16xf32>
      %sub3A_188 = arith.subf %add3A_183, %get3A_187 : vector<16xf32>
      %mul3A_189 = arith.mulf %sub3A_188, %sub3A_188 : vector<16xf32>
      %add3A_190 = arith.addf %add3A_170, %mul3A_189 : vector<16xf32>
      %get3A_191 = arith.index_cast %scan3A_86 : i32 to index
      %get3A_192 = arith.constant 80 : index
      %get3A_193 = tpu.vector_load %arg10[%get3A_191, %get3A_192] {strides = array<i32>} : memref<80x128xf32, #tpu.memory_space<vmem>>, vector<1x16xf32>,
      %get3A_194 = vector.shape_cast %get3A_193 : vector<1x16xf32> to vector<16xf32>
      %get3A_195 = arith.index_cast %scan3A_86 : i32 to index
      %get3A_196 = arith.constant 80 : index
      %get3A_197 = tpu.vector_load %arg11[%get3A_195, %get3A_196] {strides = array<i32>} : memref<80x128xf32, #tpu.memory_space<vmem>>, vector<1x16xf32>,
      %get3A_198 = vector.shape_cast %get3A_197 : vector<1x16xf32> to vector<16xf32>
      %add3A_199 = arith.addf %get3A_194, %get3A_198 : vector<16xf32>
      %get3A_200 = arith.constant 80 : index
      %get3A_201 = tpu.vector_load %arg16[%get3A_200] {strides = array<i32>} : memref<128xf32, #tpu.memory_space<vmem>>, vector<16xf32>,
      %get3A_202 = vector.shape_cast %get3A_201 : vector<16xf32> to vector<16xf32>
      %add3A_203 = arith.addf %add3A_199, %get3A_202 : vector<16xf32>
      %get3A_204 = arith.index_cast %scan3A_86 : i32 to index
      %get3A_205 = arith.constant 80 : index
      %get3A_206 = tpu.vector_load %arg12[%get3A_204, %get3A_205] {strides = array<i32>} : memref<80x128xf32, #tpu.memory_space<vmem>>, vector<1x16xf32>,
      %get3A_207 = vector.shape_cast %get3A_206 : vector<1x16xf32> to vector<16xf32>
      %sub3A_208 = arith.subf %add3A_203, %get3A_207 : vector<16xf32>
      %mul3A_209 = arith.mulf %sub3A_208, %sub3A_208 : vector<16xf32>
      %add3A_210 = arith.addf %add3A_190, %mul3A_209 : vector<16xf32>
      %get3A_211 = arith.index_cast %scan3A_86 : i32 to index
      %get3A_212 = arith.constant 96 : index
      %get3A_213 = tpu.vector_load %arg10[%get3A_211, %get3A_212] {strides = array<i32>} : memref<80x128xf32, #tpu.memory_space<vmem>>, vector<1x16xf32>,
      %get3A_214 = vector.shape_cast %get3A_213 : vector<1x16xf32> to vector<16xf32>
      %get3A_215 = arith.index_cast %scan3A_86 : i32 to index
      %get3A_216 = arith.constant 96 : index
      %get3A_217 = tpu.vector_load %arg11[%get3A_215, %get3A_216] {strides = array<i32>} : memref<80x128xf32, #tpu.memory_space<vmem>>, vector<1x16xf32>,
      %get3A_218 = vector.shape_cast %get3A_217 : vector<1x16xf32> to vector<16xf32>
      %add3A_219 = arith.addf %get3A_214, %get3A_218 : vector<16xf32>
      %get3A_220 = arith.constant 96 : index
      %get3A_221 = tpu.vector_load %arg16[%get3A_220] {strides = array<i32>} : memref<128xf32, #tpu.memory_space<vmem>>, vector<16xf32>,
      %get3A_222 = vector.shape_cast %get3A_221 : vector<16xf32> to vector<16xf32>
      %add3A_223 = arith.addf %add3A_219, %get3A_222 : vector<16xf32>
      %get3A_224 = arith.index_cast %scan3A_86 : i32 to index
      %get3A_225 = arith.constant 96 : index
      %get3A_226 = tpu.vector_load %arg12[%get3A_224, %get3A_225] {strides = array<i32>} : memref<80x128xf32, #tpu.memory_space<vmem>>, vector<1x16xf32>,
      %get3A_227 = vector.shape_cast %get3A_226 : vector<1x16xf32> to vector<16xf32>
      %sub3A_228 = arith.subf %add3A_223, %get3A_227 : vector<16xf32>
      %mul3A_229 = arith.mulf %sub3A_228, %sub3A_228 : vector<16xf32>
      %add3A_230 = arith.addf %add3A_210, %mul3A_229 : vector<16xf32>
      %get3A_231 = arith.index_cast %scan3A_86 : i32 to index
      %get3A_232 = arith.constant 112 : index
      %get3A_233 = tpu.vector_load %arg10[%get3A_231, %get3A_232] {strides = array<i32>} : memref<80x128xf32, #tpu.memory_space<vmem>>, vector<1x16xf32>,
      %get3A_234 = vector.shape_cast %get3A_233 : vector<1x16xf32> to vector<16xf32>
      %get3A_235 = arith.index_cast %scan3A_86 : i32 to index
      %get3A_236 = arith.constant 112 : index
      %get3A_237 = tpu.vector_load %arg11[%get3A_235, %get3A_236] {strides = array<i32>} : memref<80x128xf32, #tpu.memory_space<vmem>>, vector<1x16xf32>,
      %get3A_238 = vector.shape_cast %get3A_237 : vector<1x16xf32> to vector<16xf32>
      %add3A_239 = arith.addf %get3A_234, %get3A_238 : vector<16xf32>
      %get3A_240 = arith.constant 112 : index
      %get3A_241 = tpu.vector_load %arg16[%get3A_240] {strides = array<i32>} : memref<128xf32, #tpu.memory_space<vmem>>, vector<16xf32>,
      %get3A_242 = vector.shape_cast %get3A_241 : vector<16xf32> to vector<16xf32>
      %add3A_243 = arith.addf %add3A_239, %get3A_242 : vector<16xf32>
      %get3A_244 = arith.index_cast %scan3A_86 : i32 to index
      %get3A_245 = arith.constant 112 : index
      %get3A_246 = tpu.vector_load %arg12[%get3A_244, %get3A_245] {strides = array<i32>} : memref<80x128xf32, #tpu.memory_space<vmem>>, vector<1x16xf32>,
      %get3A_247 = vector.shape_cast %get3A_246 : vector<1x16xf32> to vector<16xf32>
      %sub3A_248 = arith.subf %add3A_243, %get3A_247 : vector<16xf32>
      %mul3A_249 = arith.mulf %sub3A_248, %sub3A_248 : vector<16xf32>
      %add3A_250 = arith.addf %add3A_230, %mul3A_249 : vector<16xf32>
      %get3A_251 = arith.constant 0 : index
      %get3A_252 = tpu.vector_load %arg17[%get3A_251] {strides = array<i32>} : memref<16xf32, #tpu.memory_space<vmem>>, vector<16xf32>,
      %get3A_253 = vector.shape_cast %get3A_252 : vector<16xf32> to vector<16xf32>
      %mul3A_254 = arith.mulf %broadcast_in_dim3A_90, %add3A_250 : vector<16xf32>
      %add3A_255 = arith.addf %get3A_253, %mul3A_254 : vector<16xf32>
      %swap3A_256 = arith.constant 0 : index
      %swap3A_257 = tpu.vector_load %arg17[%swap3A_256] {strides = array<i32>} : memref<16xf32, #tpu.memory_space<vmem>>, vector<16xf32>,
      %swap3A_258 = vector.shape_cast %swap3A_257 : vector<16xf32> to vector<16xf32>
      %swap3A_259 = vector.shape_cast %add3A_255 : vector<16xf32> to vector<16xf32>
      tpu.vector_store %arg17[%swap3A_256], %swap3A_259 {strides = array<i32>} : memref<16xf32, #tpu.memory_space<vmem>>, vector<16xf32>,
    }
    %scan3A_55 = arith.constant 80 : i32
    %mul3A_56 = arith.constant 160 : i32
    %mul3A_57 = arith.muli %add3A, %mul3A_56 : i32
    %add3A_58 = arith.constant 80 : i32
    %add3A_59 = arith.addi %mul3A_57, %add3A_58 : i32
    %dma_wait3A_60 = arith.constant 0 : i32
    %dma_wait3A_61 = arith.constant 0 : i32
    %dma_wait3A_62 = tpu.memref_slice %arg2[%dma_wait3A_60, %dma_wait3A_61] : memref<10112x128xf32, #tpu.memory_space<hbm>> -> memref<80x128xf32, #tpu.memory_space<hbm>>
    %dma_wait3A_63 = arith.constant 0 : i32
    %dma_wait3A_64 = arith.constant 0 : i32
    %dma_wait3A_65 = tpu.memref_slice %arg2[%dma_wait3A_63, %dma_wait3A_64] : memref<10112x128xf32, #tpu.memory_space<hbm>> -> memref<80x128xf32, #tpu.memory_space<hbm>>
    tpu.wait_dma2 semaphore(%arg19 : memref<!tpu.dma_semaphore, #tpu.memory_space<semaphore_mem>>) src(%dma_wait3A_65 : memref<80x128xf32, #tpu.memory_space<hbm>>) dst(%arg13 : memref<80x128xf32, #tpu.memory_space<vmem>>)
    %dma_wait3A_66 = arith.constant 0 : i32
    %dma_wait3A_67 = arith.constant 0 : i32
    %dma_wait3A_68 = tpu.memref_slice %arg2[%dma_wait3A_66, %dma_wait3A_67] : memref<10112x128xf32, #tpu.memory_space<hbm>> -> memref<80x128xf32, #tpu.memory_space<hbm>>
    %dma_wait3A_69 = arith.constant 0 : i32
    %dma_wait3A_70 = arith.constant 0 : i32
    %dma_wait3A_71 = tpu.memref_slice %arg2[%dma_wait3A_69, %dma_wait3A_70] : memref<10112x128xf32, #tpu.memory_space<hbm>> -> memref<80x128xf32, #tpu.memory_space<hbm>>
    tpu.wait_dma2 semaphore(%arg19 : memref<!tpu.dma_semaphore, #tpu.memory_space<semaphore_mem>>) src(%dma_wait3A_71 : memref<80x128xf32, #tpu.memory_space<hbm>>) dst(%arg13 : memref<80x128xf32, #tpu.memory_space<vmem>>)
    %dma_wait3A_72 = arith.constant 0 : i32
    %dma_wait3A_73 = arith.constant 0 : i32
    %dma_wait3A_74 = tpu.memref_slice %arg2[%dma_wait3A_72, %dma_wait3A_73] : memref<10112x128xf32, #tpu.memory_space<hbm>> -> memref<80x128xf32, #tpu.memory_space<hbm>>
    %dma_wait3A_75 = arith.constant 0 : i32
    %dma_wait3A_76 = arith.constant 0 : i32
    %dma_wait3A_77 = tpu.memref_slice %arg2[%dma_wait3A_75, %dma_wait3A_76] : memref<10112x128xf32, #tpu.memory_space<hbm>> -> memref<80x128xf32, #tpu.memory_space<hbm>>
    tpu.wait_dma2 semaphore(%arg19 : memref<!tpu.dma_semaphore, #tpu.memory_space<semaphore_mem>>) src(%dma_wait3A_77 : memref<80x128xf32, #tpu.memory_space<hbm>>) dst(%arg13 : memref<80x128xf32, #tpu.memory_space<vmem>>)
    %scan3A_78 = arith.constant 0 : i32
    %scan3A_79 = arith.constant 0 : i32
    %scan3A_80 = arith.constant 80 : i32
    %scan3A_81 = arith.addi %scan3A_79, %scan3A_80 : i32
    %scan3A_82 = arith.constant 1 : i32
    scf.for %scan3A_86 = %scan3A_79 to %scan3A_81 step %scan3A_82  : i32 {
      %add3A_87 = arith.addi %add3A_59, %scan3A_86 : i32
      %lt3A = arith.constant 5000 : i32
      %lt3A_88 = arith.cmpi slt, %add3A_87, %lt3A : i32
      %jit3A = arith.constant 1.000000e+00 : f32
      %jit3A_89 = arith.constant 0.000000e+00 : f32
      %select_n3A = arith.select %lt3A_88, %jit3A, %jit3A_89 : f32
      %broadcast_in_dim3A_90 = vector.broadcast %select_n3A : f32 to vector<16xf32>
      %broadcast_in_dim3A_91 = arith.constant 0.000000e+00 : f32
      %broadcast_in_dim3A_92 = vector.broadcast %broadcast_in_dim3A_91 : f32 to vector<16xf32>
      %get3A = arith.index_cast %scan3A_86 : i32 to index
      %get3A_93 = arith.constant 0 : index
      %get3A_94 = tpu.vector_load %arg13[%get3A, %get3A_93] {strides = array<i32>} : memref<80x128xf32, #tpu.memory_space<vmem>>, vector<1x16xf32>,
      %get3A_95 = vector.shape_cast %get3A_94 : vector<1x16xf32> to vector<16xf32>
      %get3A_96 = arith.index_cast %scan3A_86 : i32 to index
      %get3A_97 = arith.constant 0 : index
      %get3A_98 = tpu.vector_load %arg14[%get3A_96, %get3A_97] {strides = array<i32>} : memref<80x128xf32, #tpu.memory_space<vmem>>, vector<1x16xf32>,
      %get3A_99 = vector.shape_cast %get3A_98 : vector<1x16xf32> to vector<16xf32>
      %add3A_100 = arith.addf %get3A_95, %get3A_99 : vector<16xf32>
      %get3A_101 = arith.constant 0 : index
      %get3A_102 = tpu.vector_load %arg16[%get3A_101] {strides = array<i32>} : memref<128xf32, #tpu.memory_space<vmem>>, vector<16xf32>,
      %get3A_103 = vector.shape_cast %get3A_102 : vector<16xf32> to vector<16xf32>
      %add3A_104 = arith.addf %add3A_100, %get3A_103 : vector<16xf32>
      %get3A_105 = arith.index_cast %scan3A_86 : i32 to index
      %get3A_106 = arith.constant 0 : index
      %get3A_107 = tpu.vector_load %arg15[%get3A_105, %get3A_106] {strides = array<i32>} : memref<80x128xf32, #tpu.memory_space<vmem>>, vector<1x16xf32>,
      %get3A_108 = vector.shape_cast %get3A_107 : vector<1x16xf32> to vector<16xf32>
      %sub3A = arith.subf %add3A_104, %get3A_108 : vector<16xf32>
      %mul3A_109 = arith.mulf %sub3A, %sub3A : vector<16xf32>
      %add3A_110 = arith.addf %broadcast_in_dim3A_92, %mul3A_109 : vector<16xf32>
      %get3A_111 = arith.index_cast %scan3A_86 : i32 to index
      %get3A_112 = arith.constant 16 : index
      %get3A_113 = tpu.vector_load %arg13[%get3A_111, %get3A_112] {strides = array<i32>} : memref<80x128xf32, #tpu.memory_space<vmem>>, vector<1x16xf32>,
      %get3A_114 = vector.shape_cast %get3A_113 : vector<1x16xf32> to vector<16xf32>
      %get3A_115 = arith.index_cast %scan3A_86 : i32 to index
      %get3A_116 = arith.constant 16 : index
      %get3A_117 = tpu.vector_load %arg14[%get3A_115, %get3A_116] {strides = array<i32>} : memref<80x128xf32, #tpu.memory_space<vmem>>, vector<1x16xf32>,
      %get3A_118 = vector.shape_cast %get3A_117 : vector<1x16xf32> to vector<16xf32>
      %add3A_119 = arith.addf %get3A_114, %get3A_118 : vector<16xf32>
      %get3A_120 = arith.constant 16 : index
      %get3A_121 = tpu.vector_load %arg16[%get3A_120] {strides = array<i32>} : memref<128xf32, #tpu.memory_space<vmem>>, vector<16xf32>,
      %get3A_122 = vector.shape_cast %get3A_121 : vector<16xf32> to vector<16xf32>
      %add3A_123 = arith.addf %add3A_119, %get3A_122 : vector<16xf32>
      %get3A_124 = arith.index_cast %scan3A_86 : i32 to index
      %get3A_125 = arith.constant 16 : index
      %get3A_126 = tpu.vector_load %arg15[%get3A_124, %get3A_125] {strides = array<i32>} : memref<80x128xf32, #tpu.memory_space<vmem>>, vector<1x16xf32>,
      %get3A_127 = vector.shape_cast %get3A_126 : vector<1x16xf32> to vector<16xf32>
      %sub3A_128 = arith.subf %add3A_123, %get3A_127 : vector<16xf32>
      %mul3A_129 = arith.mulf %sub3A_128, %sub3A_128 : vector<16xf32>
      %add3A_130 = arith.addf %add3A_110, %mul3A_129 : vector<16xf32>
      %get3A_131 = arith.index_cast %scan3A_86 : i32 to index
      %get3A_132 = arith.constant 32 : index
      %get3A_133 = tpu.vector_load %arg13[%get3A_131, %get3A_132] {strides = array<i32>} : memref<80x128xf32, #tpu.memory_space<vmem>>, vector<1x16xf32>,
      %get3A_134 = vector.shape_cast %get3A_133 : vector<1x16xf32> to vector<16xf32>
      %get3A_135 = arith.index_cast %scan3A_86 : i32 to index
      %get3A_136 = arith.constant 32 : index
      %get3A_137 = tpu.vector_load %arg14[%get3A_135, %get3A_136] {strides = array<i32>} : memref<80x128xf32, #tpu.memory_space<vmem>>, vector<1x16xf32>,
      %get3A_138 = vector.shape_cast %get3A_137 : vector<1x16xf32> to vector<16xf32>
      %add3A_139 = arith.addf %get3A_134, %get3A_138 : vector<16xf32>
      %get3A_140 = arith.constant 32 : index
      %get3A_141 = tpu.vector_load %arg16[%get3A_140] {strides = array<i32>} : memref<128xf32, #tpu.memory_space<vmem>>, vector<16xf32>,
      %get3A_142 = vector.shape_cast %get3A_141 : vector<16xf32> to vector<16xf32>
      %add3A_143 = arith.addf %add3A_139, %get3A_142 : vector<16xf32>
      %get3A_144 = arith.index_cast %scan3A_86 : i32 to index
      %get3A_145 = arith.constant 32 : index
      %get3A_146 = tpu.vector_load %arg15[%get3A_144, %get3A_145] {strides = array<i32>} : memref<80x128xf32, #tpu.memory_space<vmem>>, vector<1x16xf32>,
      %get3A_147 = vector.shape_cast %get3A_146 : vector<1x16xf32> to vector<16xf32>
      %sub3A_148 = arith.subf %add3A_143, %get3A_147 : vector<16xf32>
      %mul3A_149 = arith.mulf %sub3A_148, %sub3A_148 : vector<16xf32>
      %add3A_150 = arith.addf %add3A_130, %mul3A_149 : vector<16xf32>
      %get3A_151 = arith.index_cast %scan3A_86 : i32 to index
      %get3A_152 = arith.constant 48 : index
      %get3A_153 = tpu.vector_load %arg13[%get3A_151, %get3A_152] {strides = array<i32>} : memref<80x128xf32, #tpu.memory_space<vmem>>, vector<1x16xf32>,
      %get3A_154 = vector.shape_cast %get3A_153 : vector<1x16xf32> to vector<16xf32>
      %get3A_155 = arith.index_cast %scan3A_86 : i32 to index
      %get3A_156 = arith.constant 48 : index
      %get3A_157 = tpu.vector_load %arg14[%get3A_155, %get3A_156] {strides = array<i32>} : memref<80x128xf32, #tpu.memory_space<vmem>>, vector<1x16xf32>,
      %get3A_158 = vector.shape_cast %get3A_157 : vector<1x16xf32> to vector<16xf32>
      %add3A_159 = arith.addf %get3A_154, %get3A_158 : vector<16xf32>
      %get3A_160 = arith.constant 48 : index
      %get3A_161 = tpu.vector_load %arg16[%get3A_160] {strides = array<i32>} : memref<128xf32, #tpu.memory_space<vmem>>, vector<16xf32>,
      %get3A_162 = vector.shape_cast %get3A_161 : vector<16xf32> to vector<16xf32>
      %add3A_163 = arith.addf %add3A_159, %get3A_162 : vector<16xf32>
      %get3A_164 = arith.index_cast %scan3A_86 : i32 to index
      %get3A_165 = arith.constant 48 : index
      %get3A_166 = tpu.vector_load %arg15[%get3A_164, %get3A_165] {strides = array<i32>} : memref<80x128xf32, #tpu.memory_space<vmem>>, vector<1x16xf32>,
      %get3A_167 = vector.shape_cast %get3A_166 : vector<1x16xf32> to vector<16xf32>
      %sub3A_168 = arith.subf %add3A_163, %get3A_167 : vector<16xf32>
      %mul3A_169 = arith.mulf %sub3A_168, %sub3A_168 : vector<16xf32>
      %add3A_170 = arith.addf %add3A_150, %mul3A_169 : vector<16xf32>
      %get3A_171 = arith.index_cast %scan3A_86 : i32 to index
      %get3A_172 = arith.constant 64 : index
      %get3A_173 = tpu.vector_load %arg13[%get3A_171, %get3A_172] {strides = array<i32>} : memref<80x128xf32, #tpu.memory_space<vmem>>, vector<1x16xf32>,
      %get3A_174 = vector.shape_cast %get3A_173 : vector<1x16xf32> to vector<16xf32>
      %get3A_175 = arith.index_cast %scan3A_86 : i32 to index
      %get3A_176 = arith.constant 64 : index
      %get3A_177 = tpu.vector_load %arg14[%get3A_175, %get3A_176] {strides = array<i32>} : memref<80x128xf32, #tpu.memory_space<vmem>>, vector<1x16xf32>,
      %get3A_178 = vector.shape_cast %get3A_177 : vector<1x16xf32> to vector<16xf32>
      %add3A_179 = arith.addf %get3A_174, %get3A_178 : vector<16xf32>
      %get3A_180 = arith.constant 64 : index
      %get3A_181 = tpu.vector_load %arg16[%get3A_180] {strides = array<i32>} : memref<128xf32, #tpu.memory_space<vmem>>, vector<16xf32>,
      %get3A_182 = vector.shape_cast %get3A_181 : vector<16xf32> to vector<16xf32>
      %add3A_183 = arith.addf %add3A_179, %get3A_182 : vector<16xf32>
      %get3A_184 = arith.index_cast %scan3A_86 : i32 to index
      %get3A_185 = arith.constant 64 : index
      %get3A_186 = tpu.vector_load %arg15[%get3A_184, %get3A_185] {strides = array<i32>} : memref<80x128xf32, #tpu.memory_space<vmem>>, vector<1x16xf32>,
      %get3A_187 = vector.shape_cast %get3A_186 : vector<1x16xf32> to vector<16xf32>
      %sub3A_188 = arith.subf %add3A_183, %get3A_187 : vector<16xf32>
      %mul3A_189 = arith.mulf %sub3A_188, %sub3A_188 : vector<16xf32>
      %add3A_190 = arith.addf %add3A_170, %mul3A_189 : vector<16xf32>
      %get3A_191 = arith.index_cast %scan3A_86 : i32 to index
      %get3A_192 = arith.constant 80 : index
      %get3A_193 = tpu.vector_load %arg13[%get3A_191, %get3A_192] {strides = array<i32>} : memref<80x128xf32, #tpu.memory_space<vmem>>, vector<1x16xf32>,
      %get3A_194 = vector.shape_cast %get3A_193 : vector<1x16xf32> to vector<16xf32>
      %get3A_195 = arith.index_cast %scan3A_86 : i32 to index
      %get3A_196 = arith.constant 80 : index
      %get3A_197 = tpu.vector_load %arg14[%get3A_195, %get3A_196] {strides = array<i32>} : memref<80x128xf32, #tpu.memory_space<vmem>>, vector<1x16xf32>,
      %get3A_198 = vector.shape_cast %get3A_197 : vector<1x16xf32> to vector<16xf32>
      %add3A_199 = arith.addf %get3A_194, %get3A_198 : vector<16xf32>
      %get3A_200 = arith.constant 80 : index
      %get3A_201 = tpu.vector_load %arg16[%get3A_200] {strides = array<i32>} : memref<128xf32, #tpu.memory_space<vmem>>, vector<16xf32>,
      %get3A_202 = vector.shape_cast %get3A_201 : vector<16xf32> to vector<16xf32>
      %add3A_203 = arith.addf %add3A_199, %get3A_202 : vector<16xf32>
      %get3A_204 = arith.index_cast %scan3A_86 : i32 to index
      %get3A_205 = arith.constant 80 : index
      %get3A_206 = tpu.vector_load %arg15[%get3A_204, %get3A_205] {strides = array<i32>} : memref<80x128xf32, #tpu.memory_space<vmem>>, vector<1x16xf32>,
      %get3A_207 = vector.shape_cast %get3A_206 : vector<1x16xf32> to vector<16xf32>
      %sub3A_208 = arith.subf %add3A_203, %get3A_207 : vector<16xf32>
      %mul3A_209 = arith.mulf %sub3A_208, %sub3A_208 : vector<16xf32>
      %add3A_210 = arith.addf %add3A_190, %mul3A_209 : vector<16xf32>
      %get3A_211 = arith.index_cast %scan3A_86 : i32 to index
      %get3A_212 = arith.constant 96 : index
      %get3A_213 = tpu.vector_load %arg13[%get3A_211, %get3A_212] {strides = array<i32>} : memref<80x128xf32, #tpu.memory_space<vmem>>, vector<1x16xf32>,
      %get3A_214 = vector.shape_cast %get3A_213 : vector<1x16xf32> to vector<16xf32>
      %get3A_215 = arith.index_cast %scan3A_86 : i32 to index
      %get3A_216 = arith.constant 96 : index
      %get3A_217 = tpu.vector_load %arg14[%get3A_215, %get3A_216] {strides = array<i32>} : memref<80x128xf32, #tpu.memory_space<vmem>>, vector<1x16xf32>,
      %get3A_218 = vector.shape_cast %get3A_217 : vector<1x16xf32> to vector<16xf32>
      %add3A_219 = arith.addf %get3A_214, %get3A_218 : vector<16xf32>
      %get3A_220 = arith.constant 96 : index
      %get3A_221 = tpu.vector_load %arg16[%get3A_220] {strides = array<i32>} : memref<128xf32, #tpu.memory_space<vmem>>, vector<16xf32>,
      %get3A_222 = vector.shape_cast %get3A_221 : vector<16xf32> to vector<16xf32>
      %add3A_223 = arith.addf %add3A_219, %get3A_222 : vector<16xf32>
      %get3A_224 = arith.index_cast %scan3A_86 : i32 to index
      %get3A_225 = arith.constant 96 : index
      %get3A_226 = tpu.vector_load %arg15[%get3A_224, %get3A_225] {strides = array<i32>} : memref<80x128xf32, #tpu.memory_space<vmem>>, vector<1x16xf32>,
      %get3A_227 = vector.shape_cast %get3A_226 : vector<1x16xf32> to vector<16xf32>
      %sub3A_228 = arith.subf %add3A_223, %get3A_227 : vector<16xf32>
      %mul3A_229 = arith.mulf %sub3A_228, %sub3A_228 : vector<16xf32>
      %add3A_230 = arith.addf %add3A_210, %mul3A_229 : vector<16xf32>
      %get3A_231 = arith.index_cast %scan3A_86 : i32 to index
      %get3A_232 = arith.constant 112 : index
      %get3A_233 = tpu.vector_load %arg13[%get3A_231, %get3A_232] {strides = array<i32>} : memref<80x128xf32, #tpu.memory_space<vmem>>, vector<1x16xf32>,
      %get3A_234 = vector.shape_cast %get3A_233 : vector<1x16xf32> to vector<16xf32>
      %get3A_235 = arith.index_cast %scan3A_86 : i32 to index
      %get3A_236 = arith.constant 112 : index
      %get3A_237 = tpu.vector_load %arg14[%get3A_235, %get3A_236] {strides = array<i32>} : memref<80x128xf32, #tpu.memory_space<vmem>>, vector<1x16xf32>,
      %get3A_238 = vector.shape_cast %get3A_237 : vector<1x16xf32> to vector<16xf32>
      %add3A_239 = arith.addf %get3A_234, %get3A_238 : vector<16xf32>
      %get3A_240 = arith.constant 112 : index
      %get3A_241 = tpu.vector_load %arg16[%get3A_240] {strides = array<i32>} : memref<128xf32, #tpu.memory_space<vmem>>, vector<16xf32>,
      %get3A_242 = vector.shape_cast %get3A_241 : vector<16xf32> to vector<16xf32>
      %add3A_243 = arith.addf %add3A_239, %get3A_242 : vector<16xf32>
      %get3A_244 = arith.index_cast %scan3A_86 : i32 to index
      %get3A_245 = arith.constant 112 : index
      %get3A_246 = tpu.vector_load %arg15[%get3A_244, %get3A_245] {strides = array<i32>} : memref<80x128xf32, #tpu.memory_space<vmem>>, vector<1x16xf32>,
      %get3A_247 = vector.shape_cast %get3A_246 : vector<1x16xf32> to vector<16xf32>
      %sub3A_248 = arith.subf %add3A_243, %get3A_247 : vector<16xf32>
      %mul3A_249 = arith.mulf %sub3A_248, %sub3A_248 : vector<16xf32>
      %add3A_250 = arith.addf %add3A_230, %mul3A_249 : vector<16xf32>
      %get3A_251 = arith.constant 0 : index
      %get3A_252 = tpu.vector_load %arg17[%get3A_251] {strides = array<i32>} : memref<16xf32, #tpu.memory_space<vmem>>, vector<16xf32>,
      %get3A_253 = vector.shape_cast %get3A_252 : vector<16xf32> to vector<16xf32>
      %mul3A_254 = arith.mulf %broadcast_in_dim3A_90, %add3A_250 : vector<16xf32>
      %add3A_255 = arith.addf %get3A_253, %mul3A_254 : vector<16xf32>
      %swap3A_256 = arith.constant 0 : index
      %swap3A_257 = tpu.vector_load %arg17[%swap3A_256] {strides = array<i32>} : memref<16xf32, #tpu.memory_space<vmem>>, vector<16xf32>,
      %swap3A_258 = vector.shape_cast %swap3A_257 : vector<16xf32> to vector<16xf32>
      %swap3A_259 = vector.shape_cast %add3A_255 : vector<16xf32> to vector<16xf32>
      tpu.vector_store %arg17[%swap3A_256], %swap3A_259 {strides = array<i32>} : memref<16xf32, #tpu.memory_space<vmem>>, vector<16xf32>,
    }
    %scan3A_83 = arith.constant 80 : i32
    %mul3A_84 = arith.constant 16 : i32
    %mul3A_85 = arith.muli %add3A, %mul3A_84 : i32
    "tpu.region"() ({
      %run_scoped3A = tpu.sem_alloc : memref<!tpu.dma_semaphore, #tpu.memory_space<semaphore_mem>>
      %dma_start3A_86 = tpu.memref_slice %arg7[%mul3A_85] : memref<512xf32, #tpu.memory_space<hbm>> -> memref<16xf32, #tpu.memory_space<hbm>>
      %dma_start3A_87 = tpu.memref_slice %arg7[%mul3A_85] : memref<512xf32, #tpu.memory_space<hbm>> -> memref<16xf32, #tpu.memory_space<hbm>>
      tpu.enqueue_dma source(%arg17 : memref<16xf32, #tpu.memory_space<vmem>>) target(%dma_start3A_87 : memref<16xf32, #tpu.memory_space<hbm>>) target_semaphore(%run_scoped3A : memref<!tpu.dma_semaphore, #tpu.memory_space<semaphore_mem>>)
      %dma_wait3A_88 = tpu.memref_slice %arg7[%mul3A_85] : memref<512xf32, #tpu.memory_space<hbm>> -> memref<16xf32, #tpu.memory_space<hbm>>
      %dma_wait3A_89 = tpu.memref_slice %arg7[%mul3A_85] : memref<512xf32, #tpu.memory_space<hbm>> -> memref<16xf32, #tpu.memory_space<hbm>>
      tpu.wait_dma2 semaphore(%run_scoped3A : memref<!tpu.dma_semaphore, #tpu.memory_space<semaphore_mem>>) src(%arg17 : memref<16xf32, #tpu.memory_space<vmem>>) dst(%dma_wait3A_89 : memref<16xf32, #tpu.memory_space<hbm>>)
      tpu.yield
    }) : () -> ()
    return
  }
}

module attributes {stable_mosaic.version = 14 : i64} {
  func.func @_mm_body(%arg0: i32, %arg1: memref<1000x128xf32, #tpu.memory_space<vmem>>, %arg2: memref<128x128xf32, #tpu.memory_space<vmem>>, %arg3: memref<1000x128xf32, #tpu.memory_space<vmem>>) attributes {dimension_semantics = [#tpu.dimension_semantics<arbitrary>], iteration_bounds = array<i64: 10>, scalar_prefetch = 0 : i64, scratch_operands = 0 : i64, tpu.core_type = #tpu.core_type<tc>, window_params = [{transform_indices = @transform_0, window_bounds = array<i64: 1000, 128>}, {pipeline_mode = #tpu.pipeline_mode<synchronous>, transform_indices = @transform_1, window_bounds = array<i64: 128, 128>}, {transform_indices = @transform_2, window_bounds = array<i64: 1000, 128>}]} {
    %get3A = arith.constant 0 : index
    %get3A_0 = arith.constant 0 : index
    %get3A_1 = vector.load %arg1[%get3A, %get3A_0] : memref<1000x128xf32, #tpu.memory_space<vmem>>, vector<1000x128xf32>
    %get3A_2 = arith.constant 0 : index
    %get3A_3 = arith.constant 0 : index
    %get3A_4 = vector.load %arg2[%get3A_2, %get3A_3] : memref<128x128xf32, #tpu.memory_space<vmem>>, vector<128x128xf32>
    %dot_general3A = arith.constant dense<0.000000e+00> : vector<1000x128xf32>
    %dot_general3A_5 = tpu.matmul %get3A_1, %get3A_4, %dot_general3A {dimension_numbers = #tpu.dot_dimension_numbers<[1], [0], [0], [1], [0, 0, 1, 1], [], []>, transpose_lhs_hint = false} : vector<1000x128xf32>, vector<128x128xf32>, vector<1000x128xf32> -> vector<1000x128xf32>
    %swap3A = arith.constant 0 : index
    %swap3A_6 = arith.constant 0 : index
    %swap3A_7 = vector.load %arg3[%swap3A, %swap3A_6] : memref<1000x128xf32, #tpu.memory_space<vmem>>, vector<1000x128xf32>
    tpu.vector_store %arg3[%swap3A, %swap3A_6], %dot_general3A_5 {strides = array<i32>} : memref<1000x128xf32, #tpu.memory_space<vmem>>, vector<1000x128xf32>,
    return
  }
  func.func @transform_0(%arg0: i32) -> (i32, i32) {
    %c0_i32 = arith.constant 0 : i32
    %c0_i32_0 = arith.constant 0 : i32
    return %arg0, %c0_i32 : i32, i32
  }
  func.func @transform_1(%arg0: i32) -> (i32, i32) {
    %c0_i32 = arith.constant 0 : i32
    %c0_i32_0 = arith.constant 0 : i32
    %c0_i32_1 = arith.constant 0 : i32
    return %c0_i32, %c0_i32_0 : i32, i32
  }
  func.func @transform_2(%arg0: i32) -> (i32, i32) {
    %c0_i32 = arith.constant 0 : i32
    %c0_i32_0 = arith.constant 0 : i32
    return %arg0, %c0_i32 : i32, i32
  }
}

</mosaic_0001>

<sc_bundles>
// kernel: kernel.5.cloned.1.call-start
scs
__scs_entry_jumppad:
0x0: {  	(pc) =	sbr.rel $0x88, $3  }
0x1: {  	(tag) =	ssettag $0x0;
	lr =	simm.s32 $0x1  }
0x2: {  	[smem:$0x3F9A] =	sst lr;
	_ =	strace $0xD0000000  }
0x3: {  	_ = 	snop  }
0x4: {  	_ = 	snop  }
0x5: {  	_ = 	snop  }
0x6: {  	_ = 	snop  }
0x7: {  	_ = 	snop  }
__scs_overlays_trampoline_lowered:
0x8: {  	[smem:$0x3FA9] =	sst s0  }
0x9: {  	[smem:$0x3FAA] =	sst s1  }
0xa: {  	[smem:$0x3FAB] =	sst s2  }
0xb: {  	[smem:$0x3FAC] =	sst s3  }
0xc: {  	[smem:$0x3FAD] =	sst s4  }
0xd: {  	[smem:$0x3FAE] =	sst s5  }
0xe: {  	[smem:$0x3FAF] =	sst s6  }
0xf: {  	[smem:$0x3FB0] =	sst s7  }
0x10: {  	[smem:$0x3FB1] =	sst s8  }
0x11: {  	[smem:$0x3FB2] =	sst s9;
	s0 =	simm.s32 @!p0 $0x0  }
0x12: {  	s1 =	sld [smem:$0x3F98];
	s0 =	simm.s32 @p0 $0x1  }
0x13: {  	[smem:$0x3FB3] =	sst s0;
	s0 =	simm.s32 @!p1 $0x0  }
0x14: {  	s2 =	sld [smem:$0x3F97];
	s0 =	simm.s32 @p1 $0x1  }
0x15: {  	[smem:$0x3FB4] =	sst s0;
	s0 =	simm.s32 @!p2 $0x0  }
0x16: {  	s3 =	sld [smem:$0x3FDB];
	s0 =	simm.s32 @p2 $0x1  }
0x17: {  	s4 =	simm.s32 $0x1BF5;
	[smem:$0x3FB6] =	sst s0  }
0x18: {  	s0 =	sld [smem:$0x3F99];
	_ =	swait.ge [sflag:s4], $0x0  }
0x19: {  	s7 =	sld [smem:$0x3F9A]  }
0x1a: {  	s8 =	sadd.s32 $0xFFFFE003, lr  }
0x1b: {  	s9 =	sadd.s32 $0xFFFFFEF7, lr;
	s5 =	simm.s32 $0xFFFFFFFF;
	p2 =	slt.u32 s8, $0xFFFFF086  }
0x1c: {  	p1 =	slt.u32 s9, $0xF7A;
	s5 =	simm.s32 @!p2 $0x0  }
0x1d: {  	s5 =	simm.s32 @p1 $0x1;
	p0 =	seq.s32 s7, s2  }
0x1e: {  	s7 =	smul.u32 @!p0 $0xF7A, s2;
	p2 =	seq.s32 @!p0 s5, $0x0  }
0x1f: {  	s9 =	smul.u32 $0xF7A, s1;
	s8 =	simm.s32 @!p0 $0x1BF5;
	p2 =	por !p2, p0  }
0x20: {  	[sflag:s8] =	ssyncset.s32 @!p0 $0xFFFFF086;
	s6 =	sadd.s32 @!p0 s3, s7;
	s7 =	simm.s32 @!p0 $0x108  }
0x21: {  	s3 =	sadd.s32 s3, s9;
	s6 =	sadd.s32 @!p0 $0x88, s6;
	s7 =	simm.s32 @p2 $0x1082  }
0x22: {  	[simem:s7], [sflag:s8] =	dma.local @!p0 [hbm:s6], $0xF7A  }
0x23: {  	s9 =	sor.u32 $0xD0000000, s2;
	s6 =	simm.s32 $0x108;
	_ =	swait.ge @!p0 [sflag:s8], $0x0  }
0x24: {  	s3 =	sadd.s32 $0x88, s3;
	s6 =	simm.s32 @!p1 $0x1082;
	[sflag:s4] =	ssyncset.s32 $0xFFFFF086  }
0x25: {  	[simem:s6], [sflag:s4] =	dma.local [hbm:s3], $0xF7A  }
0x26: {  	[smem:$0x3F9A] =	sst s1;
	(tag) =	ssettag s2;
	_ =	strace s9  }
0x27: {  	s1 =	sld [smem:$0x3FAA]  }
0x28: {  	s2 =	sld [smem:$0x3FAB]  }
0x29: {  	s4 =	sld [smem:$0x3FAD]  }
0x2a: {  	p0 =	seq.s32 s5, $0x0;
	s5 =	sld [smem:$0x3FAE]  }
0x2b: {  	s6 =	sld [smem:$0x3FAF]  }
0x2c: {  	s7 =	sld [smem:$0x3FB0]  }
0x2d: {  	s3 =	simm.s32 $0x108;
	s8 =	sld [smem:$0x3FB1]  }
0x2e: {  	s3 =	simm.s32 @!p0 $0x1082;
	s9 =	sld [smem:$0x3FB2]  }
0x2f: {  	lr =	sadd.s32 s0, s3;
	s0 =	sld [smem:$0x3FA9]  }
0x30: {  	s3 =	sld [smem:$0x3FAC]  }
0x31: {  	[smem:$0x3FB5] =	sst s10  }
0x32: {  	s10 =	sld [smem:$0x3FB3];
	_ =	sdelay $0x3  }
0x33: {  	p0 =	seq.s32 s10, $0x1;
	s10 =	sld [smem:$0x3FB5];
	_ =	sdelay $0x3  }
0x34: {  	[smem:$0x3FB5] =	sst s10  }
0x35: {  	s10 =	sld [smem:$0x3FB4];
	_ =	sdelay $0x3  }
0x36: {  	p1 =	seq.s32 s10, $0x1;
	s10 =	sld [smem:$0x3FB5];
	_ =	sdelay $0x3  }
0x37: {  	[smem:$0x3FB5] =	sst s10  }
0x38: {  	s10 =	sld [smem:$0x3FB6]  }
0x39: {  	_ = 	snop;
	(pc) =	sbr.ind lr, $3  }
0x3a: {  	_ = 	snop  }
0x3b: {  	_ = 	snop  }
0x3c: {  	p2 =	seq.s32 s10, $0x1;
	s10 =	sld [smem:$0x3FB5]  }
0x3d: {  	_ =	shalt  }
0x3e: {  	_ =	shalt  }
0x3f: {  	_ =	shalt  }
0x40: {  	_ =	shalt  }
0x41: {  	_ =	shalt  }
0x42: {  	_ =	shalt  }
0x43: {  	_ =	shalt  }
0x44: {  	_ =	shalt  }
0x45: {  	_ =	shalt  }
0x46: {  	_ =	shalt  }
0x47: {  	_ =	shalt  }
0x48: {  	_ =	shalt  }
0x49: {  	_ =	shalt  }
0x4a: {  	_ =	shalt  }
0x4b: {  	_ =	shalt  }
0x4c: {  	_ =	shalt  }
0x4d: {  	_ =	shalt  }
0x4e: {  	_ =	shalt  }
0x4f: {  	_ =	shalt  }
0x50: {  	_ =	shalt  }
0x51: {  	_ =	shalt  }
0x52: {  	_ =	shalt  }
0x53: {  	_ =	shalt  }
0x54: {  	_ =	shalt  }
0x55: {  	_ =	shalt  }
0x56: {  	_ =	shalt  }
0x57: {  	_ =	shalt  }
0x58: {  	_ =	shalt  }
0x59: {  	_ =	shalt  }
0x5a: {  	_ =	shalt  }
0x5b: {  	_ =	shalt  }
0x5c: {  	_ =	shalt  }
0x5d: {  	_ =	shalt  }
0x5e: {  	_ =	shalt  }
0x5f: {  	_ =	shalt  }
0x60: {  	_ =	shalt  }
0x61: {  	_ =	shalt  }
0x62: {  	_ =	shalt  }
0x63: {  	_ =	shalt  }
0x64: {  	_ =	shalt  }
0x65: {  	_ =	shalt  }
0x66: {  	_ =	shalt  }
0x67: {  	_ =	shalt  }
0x68: {  	_ =	shalt  }
0x69: {  	_ =	shalt  }
0x6a: {  	_ =	shalt  }
0x6b: {  	_ =	shalt  }
0x6c: {  	_ =	shalt  }
0x6d: {  	_ =	shalt  }
0x6e: {  	_ =	shalt  }
0x6f: {  	_ =	shalt  }
0x70: {  	_ =	shalt  }
0x71: {  	_ =	shalt  }
0x72: {  	_ =	shalt  }
0x73: {  	_ =	shalt  }
0x74: {  	_ =	shalt  }
0x75: {  	_ =	shalt  }
0x76: {  	_ =	shalt  }
0x77: {  	_ =	shalt  }
0x78: {  	_ =	shalt  }
0x79: {  	_ =	shalt  }
0x7a: {  	_ =	shalt  }
0x7b: {  	_ =	shalt  }
0x7c: {  	_ =	shalt  }
0x7d: {  	_ =	shalt  }
0x7e: {  	_ =	shalt  }
0x7f: {  	_ =	shalt  }
0x80: {  	_ =	shalt  }
0x81: {  	_ =	shalt  }
0x82: {  	_ =	shalt  }
0x83: {  	_ =	shalt  }
0x84: {  	_ =	shalt  }
0x85: {  	_ =	shalt  }
0x86: {  	_ =	shalt  }
0x87: {  	_ =	shalt  }
.Lfunc_end0:
.L_simem_size_0:
called_computation_lowered:
.L_overlay_start_0:
0x88: {  	s2 =	sld [smem:$0x3FD9]  }
0x89: {  	s3 =	sld [smem:$0x3FFE];
	_ =	sdelay $0x1  }
0x8a: {  	s1 =	srdreg.scid  }
0x8b: {  	s0 =	sand.u32 $0x1, s1  }
0x8c: {  	s16 =	sshll.u32 s0, $0xA;
	s2 =	sadd.s32 s3, s2  }
0x8d: {  	s2 =	sadd.s32 s2, s16  }
0x8e: {  	[smem:$0x3FC1] =	sst s2  }
0x8f: {  	_ = 	snop  }
0x90: {  	(tm) =	ssettm $0x1  }
0x91: {  	s17 =	sld [smem:$0x3FFB];
	_ =	sdelay $0x3  }
0x92: {  	_ =	strace s17  }
0x93: {  	s2 =	sld [smem:$0x3FFC];
	_ =	sdelay $0x3  }
0x94: {  	_ =	strace s2  }
0x95: {  	s2 =	sld [smem:$0x3FFD];
	_ =	sdelay $0x3  }
0x96: {  	_ =	strace s2  }
0x97: {  	_ =	strace $0x8FFFFFFF  }
0x98: {  	s18 =	sld [smem:$0x3FDB];
	_ =	sdelay $0x1  }
0x99: {  	s19 =	simm.s32 $_scs_section_size  }
0x9a: {  	s4 =	simm.s32 $_size__tile_overlayer_lowered;
	s5 =	simm.s32 $_tile_overlayer_lowered  }
0x9b: {  	s22 =	simm.s32 $0x1BFF;
	s21 =	sshll.u32 s5, $0x1;
	s2 =	sadd.s32 s19, s18  }
0x9c: {  	s6 =	simm.s32 $0x0;
	s20 =	sshll.u32 s4, $0x1;
	s4 =	sadd.s32 s21, s2  }
0x9d: {  	[timem:s6], [sflag:s22] =	dma.local [hbm:s4], s20  }
0x9e: {  	_ =	swait.ge [sflag:s22], s20  }
0x9f: {  	s3 =	ssub.s32 $0x0, s20;
	[sflag:s22] =	ssyncset.done $0x0  }
0xa0: {  	[sflag:s22] =	ssyncadd.s32 s3;
	_ =	sdelay $0x1  }
0xa1: {  	s23 =	simm.s32 $0x1B8B  }
0xa2: {  	_ =	swait.ge [sflag:s23], $0x1  }
0xa3: {  	[sflag:s23] =	ssyncset.done $0x0  }
0xa4: {  	s25 =	simm.s32 $0x1B8E;
	s24 =	sld [smem:$0x3FFE];
	[sflag:s23] =	ssyncadd.s32 $0xFFFFFFFF  }
0xa5: {  	s26 =	simm.s32 $execute0_lowered;
	[smem:$0x3FD2] =	sst s25  }
0xa6: {  	s4 =	sshll.u32 s26, $0x1;
	_ =	strace $0x80000046;
	[dreg:$0x1] =	wrdreg $0xFFFFFFFF  }
0xa7: {  	s28 =	simm.s32 $_size_execute0_lowered;
	s2 =	sadd.s32 s2, s4;
	[dreg:$0x0] =	wrdreg $0x0  }
0xa8: {  	s4 =	sshll.u32 s28, $0x1;
	[dreg:$0x2] =	wrdreg s2  }
0xa9: {  	[dreg:$0x3] =	wrdreg s4  }
0xaa: {  	[dreg:$0x4] =	wrdreg $0xC0  }
0xab: {  	_ =	task [dreg:s6], $0x5FFFF  }
0xac: {  	[dreg:$0x1] =	wrdreg $0xFFFFFFFF  }
0xad: {  	[dreg:$0x0] =	wrdreg $0x60  }
0xae: {  	[dreg:$0x2] =	wrdreg s24  }
0xaf: {  	[dreg:$0x3] =	wrdreg $0xA4000  }
0xb0: {  	[dreg:$0x4] =	wrdreg $0x9  }
0xb1: {  	_ =	task.clear_ibuf [dreg:s6], $0x5FFFF;
	_ =	strace $0x90000046  }
0xb2: {  	s29 =	simm.s32 $0x9;
	_ =	strace $0x80000048  }
0xb3: {  	_ =	swait.ge [sflag:s29], $0x1  }
0xb4: {  	[sflag:s29] =	ssyncadd.s32 $0xFFFFFFFF  }
0xb5: {  	_ =	strace $0x90000048  }
0xb6: {  	_ =	sfence  }
0xb7: {  	s30 =	sld [smem:$0x0];
	_ =	sdelay $0x2  }
0xb8: {  	s31 =	sshll.u32 s1, $0xD;
	s1 =	sshrl.u32 s1, $0x2  }
0xb9: {  	s3 =	sand.u32 $0x4000, s31;
	s1 =	sadd.s32 s1, s30  }
0xba: {  	s0 =	sor.u32 s3, s0;
	s1 =	sshll.u32 s1, $0x11  }
0xbb: {  	s0 =	sor.u32 s1, s0  }
0xbc: {  	s0 =	sadd.s32 $0x8F2B, s0  }
0xbd: {  	[sflag:s0] =	ssyncadd.remote.s32 $0x1  }
0xbe: {  	_ =	sfence.sel $0xFFFF  }
0xbf: {  	[dreg:$0x0] =	wrdreg $0xFFFFFFFF;
	(pc) =	sbr.abs _section_cstart, $3  }
0xc0: {  	[dreg:$0x1] =	wrdreg $0xFFFFFFFF  }
0xc1: {  	_ =	task.clear_ibuf [dreg:s6], $0x2FFFF;
	_ =	strace $0x9FFFFFFF  }
0xc2: {  	(tm) =	ssettm $0x7FFFFFFF  }
0xc3: {  	_ =	shalt  }
tec
execute0_lowered:
.L_overlay_start_1:
0x0: {  	(tag) =	ssettag $0x1  }
0x1: {  	s0 =	rddreg [dreg:$0x0]  }
0x2: {  	s1 =	rddreg [dreg:$0x1];
	s2 =	simm.s32 $0x0;
	s3 =	srdreg.scid  }
0x3: {  	s12 =	stileid.u32;
	s14 =	simm.s32 $0xD;
	s25 =	simm.s32 $0x180  }
0x4: {  	s26 =	simm.s32 $0x280;
	s28 =	simm.s32 $0x8;
	s29 =	simm.s32 $0x380  }
0x5: {  	s30 =	simm.s32 $0x9;
	s31 =	simm.s32 $0xA;
	[smem:$0x7FF] =	sst s2  }
0x6: {  	s3 =	sand.u32 $0x1, s3;
	s5 =	sadd.s32 $0xC00, s0;
	s8 =	smul.u32 $0x4F000, s12  }
0x7: {  	s11 =	sadd.s32 $0x47400, s0;
	s16 =	sshll.u32 s12, $0x6;
	s21 =	smul.u32 $0x2780, s12  }
0x8: {  	s22 =	smul.u32 $0xFA0, s12;
	_ =	strace $0x80000047;
	s4 =	sshll.u32 s3, $0x4  }
0x9: {  	s6 =	ssub.s32 $0x2, s3;
	[dreg:$0x6] =	wrdreg s11;
	s18 =	sor.u32 $0x1C0D, s16  }
0xa: {  	p0 =	seq.s32 s3, $0x1;
	s3 =	smul.u32 $0xFA00, s3;
	[dreg:$0x4] =	wrdreg s25  }
0xb: {  	s16 =	simm.s32 $0x400;
	[dreg:$0x5] =	wrdreg s26;
	s25 =	simm.s32 $0x6  }
0xc: {  	s26 =	simm.s32 $0x7;
	s7 =	sor.u32 s12, s4;
	s4 =	sadd.s32 $0x20200, s0  }
0xd: {  	s9 =	sshrl.u32 s6, $0x1;
	s15 =	sshrl.u32 s8, $0x2;
	s11 =	smov.u32 s18  }
0xe: {  	s18 =	simm.s32 $0x2C00;
	s10 =	smul.u32 $0x7D00, s7;
	s9 =	ssub.s32 s6, s9  }
0xf: {  	s7 =	smul.u32 $0xFA0, s7;
	s17 =	sadd.s32 s15, s1;
	s3 =	sadd.s32 s3, s5  }
0x10: {  	s15 =	simm.s32 $0x50;
	s23 =	smax.u32 s9, $0x1;
	s24 =	sadd.s32 s22, s3  }
0x11: {  	s12 =	sshrl.u32 s17, $0x3;
	s17 =	simm.s32 $0x100;
	s22 =	simm.s32 $0x7C00  }
0x12: {  	s3 =	simm.s32 $0xC;
	s9 =	simm.s32 $0x4;
	[dreg:$0xb] =	wrdreg s23  }
0x13: {  	s10 =	sshrl.u32 s10, $0x3;
	s7 =	sadd.s32 s5, s7;
	[dreg:$0x3] =	wrdreg s24  }
0x14: {  	s23 =	simm.s32 $0x5;
	s24 =	simm.s32 $0x80;
	[dreg:$0xd] =	wrdreg s12  }
0x15: {  	s19 =	sadd.s32 s5, s10;
	[dreg:$0x7] =	wrdreg s7;
	s10 =	simm.s32 $0x71400  }
0x16: {  	s5 =	simm.s32 $0x1;
	s7 =	simm.s32 $0x2;
	s20 =	sadd.s32 $0x20, s19  }
0x17: {  	s13 =	sadd.s32 $0x40, s19;
	s10 =	simm.s32 @!p0 $0x49C00;
	[dreg:$0x8] =	wrdreg s20  }
0x18: {  	s8 =	sadd.s32 $0x60, s19;
	s19 =	simm.s32 $0x200;
	[dreg:$0x9] =	wrdreg s13  }
0x19: {  	[dreg:$0xa] =	wrdreg s8;
	s0 =	sadd.s32 s10, s0;
	s20 =	simm.s32 $0x5400  }
0x1a: {  	s8 =	simm.s32 $0x3;
	s10 =	simm.s32 $0x0;
	s0 =	sadd.s32 s0, s21  }
0x1b: {  	s21 =	simm.s32 $0x300;
	[dreg:$0xc] =	wrdreg s0;
	s0 =	simm.s32 $0xB  }
.LBB2_1:
0x1c: {  	s6 =	rddreg [dreg:$0x6]  }
0x1d: {  	[spmem:s12], [sflag:s11] =	dma.local [hbm:s6], $0x2780  }
0x1e: {  	_ =	swait.ge [sflag:s14], $0x2780  }
0x1f: {  	[sflag:s14] =	ssyncset.done $0x0  }
0x20: {  	[sflag:s14] =	ssyncadd.s32 $0xFFFFD880  }
0x21: {  	[bflag:$0x0] =	sbarrier.arrive $0xFFFF  }
0x22: {  	s12 =	rddreg [dreg:$0x7]  }
0x23: {  	[tilespmem:s2], [sflag:$0xD] =	stream.linear.gather [hbm4b:s12+s2], $0x100, $0x38;
	[tilespmem:$0x1E000] =	vst v63  }
0x24: {  	_ =	swait.ge [sflag:s14], $0x100  }
0x25: {  	[sflag:s14] =	ssyncset.done $0x0  }
0x26: {  	[sflag:s14] =	ssyncadd.s32 $0xFFFFFF00  }
0x27: {  	[tilespmem:s16], [sflag:$0x5] =	stream.indirect.gather [hbm4b:s4+s15], $0x80, s2, s15, $0xb8;
	[tilespmem:$0x1E000] =	vst v63  }
0x28: {  	s13 =	smov.u32 s11;
	s11 =	rddreg [dreg:$0x8]  }
0x29: {  	[tilespmem:s17], [sflag:$0xD] =	stream.linear.gather [hbm4b:s11+s2], $0x100, $0x38;
	[tilespmem:$0x1E000] =	vst v63  }
0x2a: {  	_ =	swait.ge [sflag:s14], $0x100  }
0x2b: {  	[sflag:s14] =	ssyncset.done $0x0  }
0x2c: {  	[sflag:s14] =	ssyncadd.s32 $0xFFFFFF00  }
0x2d: {  	[tilespmem:s18], [sflag:$0x6] =	stream.indirect.gather [hbm4b:s4+s15], $0x80, s17, s15, $0xb8;
	[tilespmem:$0x1E000] =	vst v63  }
0x2e: {  	s12 =	rddreg [dreg:$0x9]  }
0x2f: {  	[tilespmem:s19], [sflag:$0xD] =	stream.linear.gather [hbm4b:s12+s2], $0x100, $0x38;
	[tilespmem:$0x1E000] =	vst v63  }
0x30: {  	_ =	swait.ge [sflag:s14], $0x100  }
0x31: {  	[sflag:s14] =	ssyncset.done $0x0  }
0x32: {  	[sflag:s14] =	ssyncadd.s32 $0xFFFFFF00  }
0x33: {  	[tilespmem:s20], [sflag:$0x7] =	stream.indirect.gather [hbm4b:s4+s15], $0x80, s19, s15, $0xb8;
	[tilespmem:$0x1E000] =	vst v63  }
0x34: {  	s11 =	rddreg [dreg:$0xa]  }
0x35: {  	[tilespmem:s21], [sflag:$0xD] =	stream.linear.gather [hbm4b:s11+s2], $0x100, $0x38;
	[tilespmem:$0x1E000] =	vst v63  }
0x36: {  	_ =	swait.ge [sflag:s14], $0x100  }
0x37: {  	[sflag:s14] =	ssyncset.done $0x0  }
0x38: {  	[sflag:s14] =	ssyncadd.s32 $0xFFFFFF00  }
0x39: {  	[tilespmem:s22], [sflag:$0x8] =	stream.indirect.gather [hbm4b:s4+s15], $0x80, s21, s15, $0xb8;
	[tilespmem:$0x1E000] =	vst v63  }
0x3a: {  	_ =	swait.ge [sflag:s23], $0x2800  }
0x3b: {  	[sflag:s23] =	ssyncset.done $0x0  }
0x3c: {  	[sflag:s23] =	ssyncadd.s32 $0xFFFFD800  }
0x3d: {  	[spmem:s1] =	stream.indirect.scatter.add.f32 [tilespmem:s16], [sflag:$0x9], $0x80, s24, s15, $0xb8;
	[tilespmem:$0x1E000] =	vst v63  }
0x3e: {  	_ =	swait.ge [sflag:s25], $0x2800  }
0x3f: {  	[sflag:s25] =	ssyncset.done $0x0  }
0x40: {  	s12 =	rddreg [dreg:$0x4];
	[sflag:s25] =	ssyncadd.s32 $0xFFFFD800  }
0x41: {  	[spmem:s1] =	stream.indirect.scatter.add.f32 [tilespmem:s18], [sflag:$0xA], $0x80, s12, s15, $0xb8;
	[tilespmem:$0x1E000] =	vst v63  }
0x42: {  	_ =	swait.ge [sflag:s26], $0x2800  }
0x43: {  	[sflag:s26] =	ssyncset.done $0x0  }
0x44: {  	s6 =	rddreg [dreg:$0x5];
	[sflag:s26] =	ssyncadd.s32 $0xFFFFD800  }
0x45: {  	[spmem:s1] =	stream.indirect.scatter.add.f32 [tilespmem:s20], [sflag:$0xB], $0x80, s6, s15, $0xb8;
	[tilespmem:$0x1E000] =	vst v63  }
0x46: {  	_ =	swait.ge [sflag:s28], $0x2800  }
0x47: {  	[sflag:s28] =	ssyncset.done $0x0  }
0x48: {  	[sflag:s28] =	ssyncadd.s32 $0xFFFFD800  }
0x49: {  	[spmem:s1] =	stream.indirect.scatter.add.f32 [tilespmem:s22], [sflag:$0xC], $0x80, s29, s15, $0xb8;
	[tilespmem:$0x1E000] =	vst v63  }
0x4a: {  	_ =	swait.ge [sflag:s30], $0x2800  }
0x4b: {  	s12 =	rddreg [dreg:$0x3]  }
0x4c: {  	[sflag:s30] =	ssyncset.done $0x0;
	s11 =	sadd.s32 $0x0, s12  }
0x4d: {  	[sflag:s30] =	ssyncadd.s32 $0xFFFFD800;
	s6 =	sadd.s32 $0x80, s11  }
0x4e: {  	[tilespmem:s2], [sflag:$0x1] =	stream.linear.gather [hbm4b:s6+s2], $0x100, $0x38;
	[tilespmem:$0x1E000] =	vst v63  }
0x4f: {  	_ =	swait.ge [sflag:s31], $0x2800  }
0x50: {  	[sflag:s31] =	ssyncset.done $0x0  }
0x51: {  	s6 =	sadd.s32 $0xA0, s11;
	[sflag:s31] =	ssyncadd.s32 $0xFFFFD800  }
0x52: {  	[tilespmem:s17], [sflag:$0x2] =	stream.linear.gather [hbm4b:s6+s2], $0x100, $0x38;
	[tilespmem:$0x1E000] =	vst v63  }
0x53: {  	_ =	swait.ge [sflag:s0], $0x2800  }
0x54: {  	[sflag:s0] =	ssyncset.done $0x0  }
0x55: {  	s6 =	sadd.s32 $0xC0, s11;
	[sflag:s0] =	ssyncadd.s32 $0xFFFFD800  }
0x56: {  	[tilespmem:s19], [sflag:$0x3] =	stream.linear.gather [hbm4b:s6+s2], $0x100, $0x38;
	[tilespmem:$0x1E000] =	vst v63  }
0x57: {  	_ =	swait.ge [sflag:s3], $0x2800  }
0x58: {  	[sflag:s3] =	ssyncset.done $0x0  }
0x59: {  	s11 =	sadd.s32 $0xE0, s11;
	[sflag:s3] =	ssyncadd.s32 $0xFFFFD800  }
0x5a: {  	[tilespmem:s21], [sflag:$0x4] =	stream.linear.gather [hbm4b:s11+s2], $0x100, $0x38;
	[tilespmem:$0x1E000] =	vst v63  }
0x5b: {  	_ =	swait.ge [sflag:s5], $0x100  }
0x5c: {  	[sflag:s5] =	ssyncset.done $0x0  }
0x5d: {  	[sflag:s5] =	ssyncadd.s32 $0xFFFFFF00  }
0x5e: {  	[tilespmem:s16], [sflag:$0x5] =	stream.indirect.gather [hbm4b:s4+s15], $0x80, s2, s15, $0xb8;
	[tilespmem:$0x1E000] =	vst v63  }
0x5f: {  	_ =	swait.ge [sflag:s7], $0x100  }
0x60: {  	[sflag:s7] =	ssyncset.done $0x0  }
0x61: {  	[sflag:s7] =	ssyncadd.s32 $0xFFFFFF00  }
0x62: {  	[tilespmem:s18], [sflag:$0x6] =	stream.indirect.gather [hbm4b:s4+s15], $0x80, s17, s15, $0xb8;
	[tilespmem:$0x1E000] =	vst v63  }
0x63: {  	_ =	swait.ge [sflag:s8], $0x100  }
0x64: {  	[sflag:s8] =	ssyncset.done $0x0  }
0x65: {  	[sflag:s8] =	ssyncadd.s32 $0xFFFFFF00  }
0x66: {  	[tilespmem:s20], [sflag:$0x7] =	stream.indirect.gather [hbm4b:s4+s15], $0x80, s19, s15, $0xb8;
	[tilespmem:$0x1E000] =	vst v63  }
0x67: {  	_ =	swait.ge [sflag:s9], $0x100  }
0x68: {  	[sflag:s9] =	ssyncset.done $0x0  }
0x69: {  	s11 =	simm.s32 $0x80;
	[sflag:s9] =	ssyncadd.s32 $0xFFFFFF00  }
.LBB2_2:
0x6a: {  	[tilespmem:s22], [sflag:$0x8] =	stream.indirect.gather [hbm4b:s4+s15], $0x80, s21, s15, $0xb8;
	[tilespmem:$0x1E000] =	vst v63  }
0x6b: {  	_ =	swait.ge [sflag:s23], $0x2800  }
0x6c: {  	[sflag:s23] =	ssyncset.done $0x0  }
0x6d: {  	[sflag:s23] =	ssyncadd.s32 $0xFFFFD800  }
0x6e: {  	[spmem:s1] =	stream.indirect.scatter.add.f32 [tilespmem:s16], [sflag:$0x9], $0x80, s24, s15, $0xb8;
	[tilespmem:$0x1E000] =	vst v63  }
0x6f: {  	_ =	swait.ge [sflag:s25], $0x2800  }
0x70: {  	[sflag:s25] =	ssyncset.done $0x0  }
0x71: {  	s6 =	rddreg [dreg:$0x4];
	[sflag:s25] =	ssyncadd.s32 $0xFFFFD800  }
0x72: {  	[spmem:s1] =	stream.indirect.scatter.add.f32 [tilespmem:s18], [sflag:$0xA], $0x80, s6, s15, $0xb8;
	[tilespmem:$0x1E000] =	vst v63  }
0x73: {  	_ =	swait.ge [sflag:s26], $0x2800  }
0x74: {  	[sflag:s26] =	ssyncset.done $0x0  }
0x75: {  	s6 =	rddreg [dreg:$0x5];
	[sflag:s26] =	ssyncadd.s32 $0xFFFFD800  }
0x76: {  	[spmem:s1] =	stream.indirect.scatter.add.f32 [tilespmem:s20], [sflag:$0xB], $0x80, s6, s15, $0xb8;
	[tilespmem:$0x1E000] =	vst v63  }
0x77: {  	_ =	swait.ge [sflag:s28], $0x2800  }
0x78: {  	[sflag:s28] =	ssyncset.done $0x0  }
0x79: {  	[sflag:s28] =	ssyncadd.s32 $0xFFFFD800  }
0x7a: {  	[spmem:s1] =	stream.indirect.scatter.add.f32 [tilespmem:s22], [sflag:$0xC], $0x80, s29, s15, $0xb8;
	[tilespmem:$0x1E000] =	vst v63  }
0x7b: {  	_ =	swait.ge [sflag:s30], $0x2800  }
0x7c: {  	s12 =	smov.u32 s11;
	s6 =	rddreg [dreg:$0x3]  }
0x7d: {  	[sflag:s30] =	ssyncset.done $0x0;
	s6 =	sadd.s32 s12, s6  }
0x7e: {  	[sflag:s30] =	ssyncadd.s32 $0xFFFFD800;
	s12 =	sadd.s32 $0x80, s6  }
0x7f: {  	[tilespmem:s2], [sflag:$0x1] =	stream.linear.gather [hbm4b:s12+s2], $0x100, $0x38;
	[tilespmem:$0x1E000] =	vst v63  }
0x80: {  	_ =	swait.ge [sflag:s31], $0x2800  }
0x81: {  	[sflag:s31] =	ssyncset.done $0x0  }
0x82: {  	s12 =	sadd.s32 $0xA0, s6;
	[sflag:s31] =	ssyncadd.s32 $0xFFFFD800  }
0x83: {  	[tilespmem:s17], [sflag:$0x2] =	stream.linear.gather [hbm4b:s12+s2], $0x100, $0x38;
	[tilespmem:$0x1E000] =	vst v63  }
0x84: {  	_ =	swait.ge [sflag:s0], $0x2800  }
0x85: {  	[sflag:s0] =	ssyncset.done $0x0  }
0x86: {  	s12 =	sadd.s32 $0xC0, s6;
	[sflag:s0] =	ssyncadd.s32 $0xFFFFD800  }
0x87: {  	[tilespmem:s19], [sflag:$0x3] =	stream.linear.gather [hbm4b:s12+s2], $0x100, $0x38;
	[tilespmem:$0x1E000] =	vst v63  }
0x88: {  	_ =	swait.ge [sflag:s3], $0x2800  }
0x89: {  	[sflag:s3] =	ssyncset.done $0x0  }
0x8a: {  	s6 =	sadd.s32 $0xE0, s6;
	[sflag:s3] =	ssyncadd.s32 $0xFFFFD800  }
0x8b: {  	[tilespmem:s21], [sflag:$0x4] =	stream.linear.gather [hbm4b:s6+s2], $0x100, $0x38;
	[tilespmem:$0x1E000] =	vst v63  }
0x8c: {  	_ =	swait.ge [sflag:s5], $0x100  }
0x8d: {  	[sflag:s5] =	ssyncset.done $0x0  }
0x8e: {  	[sflag:s5] =	ssyncadd.s32 $0xFFFFFF00  }
0x8f: {  	[tilespmem:s16], [sflag:$0x5] =	stream.indirect.gather [hbm4b:s4+s15], $0x80, s2, s15, $0xb8;
	[tilespmem:$0x1E000] =	vst v63  }
0x90: {  	_ =	swait.ge [sflag:s7], $0x100  }
0x91: {  	[sflag:s7] =	ssyncset.done $0x0  }
0x92: {  	[sflag:s7] =	ssyncadd.s32 $0xFFFFFF00  }
0x93: {  	[tilespmem:s18], [sflag:$0x6] =	stream.indirect.gather [hbm4b:s4+s15], $0x80, s17, s15, $0xb8;
	[tilespmem:$0x1E000] =	vst v63  }
0x94: {  	_ =	swait.ge [sflag:s8], $0x100  }
0x95: {  	p0 =	sne.s32 s11, $0xF00;
	[sflag:s8] =	ssyncset.done $0x0  }
.Ltmp0:
0x96: {  	[sflag:s8] =	ssyncadd.s32 $0xFFFFFF00;
	(pc) =	sbr.rel @p0 .LBB2_2-.Ltmp0, $4  }
0x97: {  	[tilespmem:s20], [sflag:$0x7] =	stream.indirect.gather [hbm4b:s4+s15], $0x80, s19, s15, $0xb8;
	[tilespmem:$0x1E000] =	vst v63  }
0x98: {  	_ =	swait.ge [sflag:s9], $0x100  }
0x99: {  	[sflag:s9] =	ssyncset.done $0x0  }
0x9a: {  	s11 =	sadd.s32 $0x80, s11;
	[sflag:s9] =	ssyncadd.s32 $0xFFFFFF00  }
0x9b: {  	[tilespmem:s22], [sflag:$0x8] =	stream.indirect.gather [hbm4b:s4+s15], $0x80, s21, s15, $0xb8;
	[tilespmem:$0x1E000] =	vst v63  }
0x9c: {  	_ =	swait.ge [sflag:s23], $0x2800  }
0x9d: {  	[sflag:s23] =	ssyncset.done $0x0  }
0x9e: {  	[sflag:s23] =	ssyncadd.s32 $0xFFFFD800  }
0x9f: {  	[spmem:s1] =	stream.indirect.scatter.add.f32 [tilespmem:s16], [sflag:$0x9], $0x80, s24, s15, $0xb8;
	[tilespmem:$0x1E000] =	vst v63  }
0xa0: {  	_ =	swait.ge [sflag:s25], $0x2800  }
0xa1: {  	[sflag:s25] =	ssyncset.done $0x0  }
0xa2: {  	[sflag:s25] =	ssyncadd.s32 $0xFFFFD800  }
0xa3: {  	_ =	swait.ge [sflag:s26], $0x2800  }
0xa4: {  	[sflag:s26] =	ssyncset.done $0x0  }
0xa5: {  	[sflag:s26] =	ssyncadd.s32 $0xFFFFD800  }
0xa6: {  	_ =	swait.ge [sflag:s28], $0x2800  }
0xa7: {  	[sflag:s28] =	ssyncset.done $0x0  }
0xa8: {  	[sflag:s28] =	ssyncadd.s32 $0xFFFFD800  }
0xa9: {  	_ =	swait.ge [sflag:s30], $0x2800  }
0xaa: {  	[sflag:s30] =	ssyncset.done $0x0  }
0xab: {  	[sflag:s30] =	ssyncadd.s32 $0xFFFFD800  }
0xac: {  	[bflag:$0x0] =	sbarrier.arrive $0xFFFF  }
0xad: {  	s6 =	rddreg [dreg:$0xc]  }
0xae: {  	s12 =	rddreg [dreg:$0xd]  }
0xaf: {  	[hbm:s6], [sflag:s13] =	dma.local [spmem:s12], $0x2780  }
0xb0: {  	_ =	swait.ge [sflag:s14], $0x2780  }
0xb1: {  	s11 =	smov.u32 s13;
	s10 =	sadd.s32 $0x1, s10;
	s13 =	rddreg [dreg:$0xb]  }
0xb2: {  	p0 =	sne.s32 s10, s13  }
.Ltmp1:
0xb3: {  	_ = 	snop;
	(pc) =	sbr.rel @p0 .LBB2_1-.Ltmp1, $3  }
0xb4: {  	_ =	sdelay $0x1  }
0xb5: {  	[sflag:s14] =	ssyncset.done $0x0  }
0xb6: {  	[sflag:s14] =	ssyncadd.s32 $0xFFFFD880  }
0xb7: {  	_ =	sfence.sel $0x180000  }
0xb8: {  	[bflag:$0x0] =	sbarrier.arrive $0xFFFF  }
0xb9: {  	_ =	strace $0x90000047  }
0xba: {  	s0 =	stileid.u32;
	[bflag:$0x2] =	sbarrier.arrive $0xFFFF  }
0xbb: {  	p0 =	sne.s32 s0, $0x0;
	s0 =	rddreg [dreg:$0x2]  }
0xbc: {  	s0 =	sadd.s32 @!p0 $0x100000, s0  }
0xbd: {  	[sflag:s0] =	ssyncadd.tile.s32 @!p0 $0x1;
	_ =	shalt  }
.Lfunc_end2:
_tile_overlayer_lowered:
.L_overlay_start_2:
0xbe: {  	(tag) =	ssettag $0x2  }
0xbf: {  	s0 =	rddreg [dreg:$0x0];
	s2 =	stileid.u32  }
0xc0: {  	s1 =	rddreg [dreg:$0x1];
	p0 =	sne.s32 s2, $0x0  }
0xc1: {  	s3 =	rddreg [dreg:$0x2];
	[bflag:$0x3] =	sbarrier.arrive $0xFFFF;
	s2 =	simm.s32 @!p0 $0x1C0D  }
0xc2: {  	[timem:s3], [sflag:s2] =	dma.local @!p0 [hbm:s0], s1  }
0xc3: {  	s0 =	simm.s32 @!p0 $0xD  }
0xc4: {  	_ =	swait.ge @!p0 [sflag:s0], s1  }
0xc5: {  	s1 =	ssub.s32 @!p0 $0x0, s1;
	[sflag:s0] =	ssyncset.done @!p0 $0x0  }
0xc6: {  	[sflag:s0] =	ssyncadd.s32 @!p0 s1  }
0xc7: {  	[bflag:$0x3] =	sbarrier.arrive $0xFFFF  }
0xc8: {  	_ =	shalt  }

// kernel: kernel.8.cloned.1.call-start
scs
__scs_entry_jumppad:
0x0: {  	(pc) =	sbr.rel $0x88, $3  }
0x1: {  	(tag) =	ssettag $0x0;
	lr =	simm.s32 $0x1  }
0x2: {  	[smem:$0x3F9A] =	sst lr;
	_ =	strace $0xD0000000  }
0x3: {  	_ = 	snop  }
0x4: {  	_ = 	snop  }
0x5: {  	_ = 	snop  }
0x6: {  	_ = 	snop  }
0x7: {  	_ = 	snop  }
__scs_overlays_trampoline_lowered:
0x8: {  	[smem:$0x3FA9] =	sst s0  }
0x9: {  	[smem:$0x3FAA] =	sst s1  }
0xa: {  	[smem:$0x3FAB] =	sst s2  }
0xb: {  	[smem:$0x3FAC] =	sst s3  }
0xc: {  	[smem:$0x3FAD] =	sst s4  }
0xd: {  	[smem:$0x3FAE] =	sst s5  }
0xe: {  	[smem:$0x3FAF] =	sst s6  }
0xf: {  	[smem:$0x3FB0] =	sst s7  }
0x10: {  	[smem:$0x3FB1] =	sst s8  }
0x11: {  	[smem:$0x3FB2] =	sst s9;
	s0 =	simm.s32 @!p0 $0x0  }
0x12: {  	s1 =	sld [smem:$0x3F98];
	s0 =	simm.s32 @p0 $0x1  }
0x13: {  	[smem:$0x3FB3] =	sst s0;
	s0 =	simm.s32 @!p1 $0x0  }
0x14: {  	s2 =	sld [smem:$0x3F97];
	s0 =	simm.s32 @p1 $0x1  }
0x15: {  	[smem:$0x3FB4] =	sst s0;
	s0 =	simm.s32 @!p2 $0x0  }
0x16: {  	s3 =	sld [smem:$0x3FDB];
	s0 =	simm.s32 @p2 $0x1  }
0x17: {  	s4 =	simm.s32 $0x1BF5;
	[smem:$0x3FB6] =	sst s0  }
0x18: {  	s0 =	sld [smem:$0x3F99];
	_ =	swait.ge [sflag:s4], $0x0  }
0x19: {  	s7 =	sld [smem:$0x3F9A]  }
0x1a: {  	s8 =	sadd.s32 $0xFFFFE003, lr  }
0x1b: {  	s9 =	sadd.s32 $0xFFFFFEF7, lr;
	s5 =	simm.s32 $0xFFFFFFFF;
	p2 =	slt.u32 s8, $0xFFFFF086  }
0x1c: {  	p1 =	slt.u32 s9, $0xF7A;
	s5 =	simm.s32 @!p2 $0x0  }
0x1d: {  	s5 =	simm.s32 @p1 $0x1;
	p0 =	seq.s32 s7, s2  }
0x1e: {  	s7 =	smul.u32 @!p0 $0xF7A, s2;
	p2 =	seq.s32 @!p0 s5, $0x0  }
0x1f: {  	s9 =	smul.u32 $0xF7A, s1;
	s8 =	simm.s32 @!p0 $0x1BF5;
	p2 =	por !p2, p0  }
0x20: {  	[sflag:s8] =	ssyncset.s32 @!p0 $0xFFFFF086;
	s6 =	sadd.s32 @!p0 s3, s7;
	s7 =	simm.s32 @!p0 $0x108  }
0x21: {  	s3 =	sadd.s32 s3, s9;
	s6 =	sadd.s32 @!p0 $0x88, s6;
	s7 =	simm.s32 @p2 $0x1082  }
0x22: {  	[simem:s7], [sflag:s8] =	dma.local @!p0 [hbm:s6], $0xF7A  }
0x23: {  	s9 =	sor.u32 $0xD0000000, s2;
	s6 =	simm.s32 $0x108;
	_ =	swait.ge @!p0 [sflag:s8], $0x0  }
0x24: {  	s3 =	sadd.s32 $0x88, s3;
	s6 =	simm.s32 @!p1 $0x1082;
	[sflag:s4] =	ssyncset.s32 $0xFFFFF086  }
0x25: {  	[simem:s6], [sflag:s4] =	dma.local [hbm:s3], $0xF7A  }
0x26: {  	[smem:$0x3F9A] =	sst s1;
	(tag) =	ssettag s2;
	_ =	strace s9  }
0x27: {  	s1 =	sld [smem:$0x3FAA]  }
0x28: {  	s2 =	sld [smem:$0x3FAB]  }
0x29: {  	s4 =	sld [smem:$0x3FAD]  }
0x2a: {  	p0 =	seq.s32 s5, $0x0;
	s5 =	sld [smem:$0x3FAE]  }
0x2b: {  	s6 =	sld [smem:$0x3FAF]  }
0x2c: {  	s7 =	sld [smem:$0x3FB0]  }
0x2d: {  	s3 =	simm.s32 $0x108;
	s8 =	sld [smem:$0x3FB1]  }
0x2e: {  	s3 =	simm.s32 @!p0 $0x1082;
	s9 =	sld [smem:$0x3FB2]  }
0x2f: {  	lr =	sadd.s32 s0, s3;
	s0 =	sld [smem:$0x3FA9]  }
0x30: {  	s3 =	sld [smem:$0x3FAC]  }
0x31: {  	[smem:$0x3FB5] =	sst s10  }
0x32: {  	s10 =	sld [smem:$0x3FB3];
	_ =	sdelay $0x3  }
0x33: {  	p0 =	seq.s32 s10, $0x1;
	s10 =	sld [smem:$0x3FB5];
	_ =	sdelay $0x3  }
0x34: {  	[smem:$0x3FB5] =	sst s10  }
0x35: {  	s10 =	sld [smem:$0x3FB4];
	_ =	sdelay $0x3  }
0x36: {  	p1 =	seq.s32 s10, $0x1;
	s10 =	sld [smem:$0x3FB5];
	_ =	sdelay $0x3  }
0x37: {  	[smem:$0x3FB5] =	sst s10  }
0x38: {  	s10 =	sld [smem:$0x3FB6]  }
0x39: {  	_ = 	snop;
	(pc) =	sbr.ind lr, $3  }
0x3a: {  	_ = 	snop  }
0x3b: {  	_ = 	snop  }
0x3c: {  	p2 =	seq.s32 s10, $0x1;
	s10 =	sld [smem:$0x3FB5]  }
0x3d: {  	_ =	shalt  }
0x3e: {  	_ =	shalt  }
0x3f: {  	_ =	shalt  }
0x40: {  	_ =	shalt  }
0x41: {  	_ =	shalt  }
0x42: {  	_ =	shalt  }
0x43: {  	_ =	shalt  }
0x44: {  	_ =	shalt  }
0x45: {  	_ =	shalt  }
0x46: {  	_ =	shalt  }
0x47: {  	_ =	shalt  }
0x48: {  	_ =	shalt  }
0x49: {  	_ =	shalt  }
0x4a: {  	_ =	shalt  }
0x4b: {  	_ =	shalt  }
0x4c: {  	_ =	shalt  }
0x4d: {  	_ =	shalt  }
0x4e: {  	_ =	shalt  }
0x4f: {  	_ =	shalt  }
0x50: {  	_ =	shalt  }
0x51: {  	_ =	shalt  }
0x52: {  	_ =	shalt  }
0x53: {  	_ =	shalt  }
0x54: {  	_ =	shalt  }
0x55: {  	_ =	shalt  }
0x56: {  	_ =	shalt  }
0x57: {  	_ =	shalt  }
0x58: {  	_ =	shalt  }
0x59: {  	_ =	shalt  }
0x5a: {  	_ =	shalt  }
0x5b: {  	_ =	shalt  }
0x5c: {  	_ =	shalt  }
0x5d: {  	_ =	shalt  }
0x5e: {  	_ =	shalt  }
0x5f: {  	_ =	shalt  }
0x60: {  	_ =	shalt  }
0x61: {  	_ =	shalt  }
0x62: {  	_ =	shalt  }
0x63: {  	_ =	shalt  }
0x64: {  	_ =	shalt  }
0x65: {  	_ =	shalt  }
0x66: {  	_ =	shalt  }
0x67: {  	_ =	shalt  }
0x68: {  	_ =	shalt  }
0x69: {  	_ =	shalt  }
0x6a: {  	_ =	shalt  }
0x6b: {  	_ =	shalt  }
0x6c: {  	_ =	shalt  }
0x6d: {  	_ =	shalt  }
0x6e: {  	_ =	shalt  }
0x6f: {  	_ =	shalt  }
0x70: {  	_ =	shalt  }
0x71: {  	_ =	shalt  }
0x72: {  	_ =	shalt  }
0x73: {  	_ =	shalt  }
0x74: {  	_ =	shalt  }
0x75: {  	_ =	shalt  }
0x76: {  	_ =	shalt  }
0x77: {  	_ =	shalt  }
0x78: {  	_ =	shalt  }
0x79: {  	_ =	shalt  }
0x7a: {  	_ =	shalt  }
0x7b: {  	_ =	shalt  }
0x7c: {  	_ =	shalt  }
0x7d: {  	_ =	shalt  }
0x7e: {  	_ =	shalt  }
0x7f: {  	_ =	shalt  }
0x80: {  	_ =	shalt  }
0x81: {  	_ =	shalt  }
0x82: {  	_ =	shalt  }
0x83: {  	_ =	shalt  }
0x84: {  	_ =	shalt  }
0x85: {  	_ =	shalt  }
0x86: {  	_ =	shalt  }
0x87: {  	_ =	shalt  }
.Lfunc_end0:
.L_simem_size_0:
called_computation.1_lowered:
.L_overlay_start_0:
0x88: {  	s2 =	sld [smem:$0x3FD9]  }
0x89: {  	s3 =	sld [smem:$0x3FFE];
	_ =	sdelay $0x1  }
0x8a: {  	s1 =	srdreg.scid  }
0x8b: {  	s0 =	sand.u32 $0x1, s1  }
0x8c: {  	s17 =	sshll.u32 s0, $0xA;
	s2 =	sadd.s32 s3, s2  }
0x8d: {  	s2 =	sadd.s32 s2, s17  }
0x8e: {  	[smem:$0x3FC1] =	sst s2  }
0x8f: {  	_ = 	snop  }
0x90: {  	s2 =	sld [smem:$0x3FC9]  }
0x91: {  	s18 =	sld [smem:$0x3FC4];
	(tm) =	ssettm $0x1  }
0x92: {  	s4 =	sld [smem:$0x3FFB];
	_ =	sdelay $0x3  }
0x93: {  	_ =	strace s4  }
0x94: {  	s4 =	sld [smem:$0x3FFC];
	_ =	sdelay $0x3  }
0x95: {  	_ =	strace s4  }
0x96: {  	s4 =	sld [smem:$0x3FFD];
	_ =	sdelay $0x3  }
0x97: {  	_ =	strace s4  }
0x98: {  	_ =	strace $0x8FFFFFFF  }
0x99: {  	s19 =	sld [smem:$0x3FDB];
	_ =	sdelay $0x1  }
0x9a: {  	s5 =	simm.s32 $_scs_section_size  }
0x9b: {  	s6 =	simm.s32 $_size__tile_overlayer_lowered;
	s7 =	simm.s32 $_tile_overlayer_lowered  }
0x9c: {  	s22 =	simm.s32 $0x1BFF;
	s21 =	sshll.u32 s7, $0x1;
	s4 =	sadd.s32 s5, s19  }
0x9d: {  	s8 =	simm.s32 $0x0;
	s20 =	sshll.u32 s6, $0x1;
	s6 =	sadd.s32 s21, s4  }
0x9e: {  	[timem:s8], [sflag:s22] =	dma.local [hbm:s6], s20  }
0x9f: {  	_ =	swait.ge [sflag:s22], s20  }
0xa0: {  	s5 =	ssub.s32 $0x0, s20;
	[sflag:s22] =	ssyncset.done $0x0  }
0xa1: {  	[sflag:s22] =	ssyncadd.s32 s5;
	_ =	sdelay $0x1  }
0xa2: {  	s23 =	simm.s32 $0x1B8B  }
0xa3: {  	_ =	swait.ge [sflag:s23], $0x1  }
0xa4: {  	[sflag:s23] =	ssyncset.done $0x0  }
0xa5: {  	s25 =	simm.s32 $0x1B8E;
	s24 =	sld [smem:$0x3FFE];
	[sflag:s23] =	ssyncadd.s32 $0xFFFFFFFF  }
0xa6: {  	s26 =	simm.s32 $execute0_lowered;
	[smem:$0x3FD2] =	sst s25  }
0xa7: {  	s6 =	sshll.u32 s26, $0x1;
	_ =	strace $0x80000049;
	[dreg:$0x1] =	wrdreg $0xFFFFFFFF  }
0xa8: {  	s28 =	simm.s32 $_size_execute0_lowered;
	s4 =	sadd.s32 s4, s6;
	[dreg:$0x0] =	wrdreg $0x0  }
0xa9: {  	s6 =	sshll.u32 s28, $0x1;
	[dreg:$0x2] =	wrdreg s4  }
0xaa: {  	[dreg:$0x3] =	wrdreg s6  }
0xab: {  	[dreg:$0x4] =	wrdreg $0xC0  }
0xac: {  	_ =	task [dreg:s8], $0x5FFFF  }
0xad: {  	[dreg:$0x1] =	wrdreg $0xFFFFFFFF  }
0xae: {  	[dreg:$0x0] =	wrdreg $0x60  }
0xaf: {  	[dreg:$0x2] =	wrdreg s24  }
0xb0: {  	[dreg:$0x3] =	wrdreg s2  }
0xb1: {  	[dreg:$0x4] =	wrdreg s18  }
0xb2: {  	[dreg:$0x5] =	wrdreg $0x9  }
0xb3: {  	_ =	task.clear_ibuf [dreg:s8], $0x6FFFF;
	_ =	strace $0x90000049  }
0xb4: {  	s29 =	simm.s32 $0x9;
	_ =	strace $0x8000004B  }
0xb5: {  	_ =	swait.ge [sflag:s29], $0x1  }
0xb6: {  	[sflag:s29] =	ssyncadd.s32 $0xFFFFFFFF  }
0xb7: {  	_ =	strace $0x9000004B  }
0xb8: {  	_ =	sfence  }
0xb9: {  	s30 =	sld [smem:$0x0];
	_ =	sdelay $0x2  }
0xba: {  	s31 =	sshll.u32 s1, $0xD;
	s1 =	sshrl.u32 s1, $0x2  }
0xbb: {  	s3 =	sand.u32 $0x4000, s31;
	s1 =	sadd.s32 s1, s30  }
0xbc: {  	s0 =	sor.u32 s3, s0;
	s1 =	sshll.u32 s1, $0x11  }
0xbd: {  	s0 =	sor.u32 s1, s0  }
0xbe: {  	s0 =	sadd.s32 $0x8F2B, s0  }
0xbf: {  	[sflag:s0] =	ssyncadd.remote.s32 $0x1  }
0xc0: {  	_ =	sfence.sel $0xFFFF  }
0xc1: {  	[dreg:$0x0] =	wrdreg $0xFFFFFFFF;
	(pc) =	sbr.abs _section_cstart, $3  }
0xc2: {  	[dreg:$0x1] =	wrdreg $0xFFFFFFFF  }
0xc3: {  	_ =	task.clear_ibuf [dreg:s8], $0x2FFFF;
	_ =	strace $0x9FFFFFFF  }
0xc4: {  	(tm) =	ssettm $0x7FFFFFFF  }
0xc5: {  	_ =	shalt  }
tec
execute0_lowered:
.L_overlay_start_1:
0x0: {  	(tag) =	ssettag $0x1  }
0x1: {  	s7 =	rddreg [dreg:$0x0]  }
0x2: {  	s2 =	rddreg [dreg:$0x1]  }
0x3: {  	s0 =	srdreg.scid;
	s3 =	rddreg [dreg:$0x2];
	s4 =	simm.s32 $0x0  }
0x4: {  	s14 =	simm.s32 $0x3;
	s15 =	simm.s32 $0x50;
	s16 =	simm.s32 $0x100  }
0x5: {  	s17 =	simm.s32 $0x2900;
	s18 =	simm.s32 $0x5100;
	s19 =	simm.s32 $0x80  }
0x6: {  	s20 =	simm.s32 $0x7900;
	s21 =	simm.s32 $0xA100;
	s22 =	simm.s32 $0xC900  }
0x7: {  	s23 =	simm.s32 $0x1;
	s24 =	simm.s32 $0x2;
	s8 =	sand.u32 $0x1, s0  }
0x8: {  	s25 =	simm.s32 $0xF180;
	s0 =	stileid.u32;
	s1 =	sshll.u32 s8, $0x4  }
0x9: {  	s26 =	simm.s32 $0x0;
	s12 =	smul.u32 $0xA00, s8;
	s9 =	sor.u32 s0, s1  }
0xa: {  	[smem:$0x7FF] =	sst s4;
	s6 =	sadd.s32 $0x71400, s7;
	s5 =	smul.u32 $0xA0, s9  }
0xb: {  	s11 =	ssub.s32 $0x2, s8;
	s13 =	smul.u32 $0xA0, s0;
	s1 =	rddreg [dreg:$0x3]  }
0xc: {  	_ =	strace $0x8000004A;
	s31 =	sshrl.u32 s11, $0x1;
	s10 =	sshrl.u32 s5, $0x3  }
0xd: {  	s9 =	sshll.u32 s9, $0x1;
	s11 =	ssub.s32 s11, s31;
	s10 =	sadd.s32 s10, s7  }
0xe: {  	s9 =	sadd.s32 s9, s7;
	s5 =	sadd.s32 $0x49C00, s7;
	s7 =	sadd.s32 $0x98C00, s10  }
0xf: {  	s8 =	sadd.s32 $0x98C0A, s10;
	s10 =	smax.u32 s11, $0x1;
	s11 =	sadd.s32 s13, s12  }
0x10: {  	v0 =	vimm.f32 $0.0e+00;
	s9 =	sadd.s32 $0xC00, s9;
	s13 =	simm.s32 $0xF100;
	s12 =	sadd.s32 $0x50, s11  }
.LBB2_1:
0x11: {  	[tilespmem:s13], [sflag:$0x3] =	stream.linear.gather [hbm4b:s3+s4], $0x80, $0x38;
	[tilespmem:$0xF200] =	vst v63  }
0x12: {  	_ =	swait.ge [sflag:s14], $0x80  }
0x13: {  	[sflag:s14] =	ssyncset.done $0x0  }
0x14: {  	[sflag:s14] =	ssyncadd.s32 $0xFFFFFF80  }
0x15: {  	[tilespmem:$0xF180] =	vst v0  }
0x16: {  	[tilespmem:s4], [sflag:$0x3] =	stream.linear.gather [hbm4b:s7+s4], $0x50, $0x38;
	[tilespmem:$0xF200] =	vst v63  }
0x17: {  	_ =	swait.ge [sflag:s14], $0x50  }
0x18: {  	[sflag:s14] =	ssyncset.done $0x0  }
0x19: {  	[sflag:s14] =	ssyncadd.s32 $0xFFFFFFB0  }
0x1a: {  	[tilespmem:s16], [sflag:$0x1] =	stream.indirect.gather [hbm4b:s5+s15], $0x80, s4, s15, $0xb8;
	[tilespmem:$0xF200] =	vst v63  }
0x1b: {  	_ = 	snop  }
0x1c: {  	[tilespmem:s17], [sflag:$0x1] =	stream.indirect.gather [hbm4b:s6+s15], $0x80, s4, s15, $0xb8;
	[tilespmem:$0xF200] =	vst v63  }
0x1d: {  	_ = 	snop  }
0x1e: {  	[tilespmem:s18], [sflag:$0x1] =	stream.indirect.gather [hbm4b:s2+s15], $0x80, s4, s15, $0xb8;
	[tilespmem:$0xF200] =	vst v63  }
0x1f: {  	_ = 	snop  }
0x20: {  	[tilespmem:s19], [sflag:$0x3] =	stream.linear.gather [hbm4b:s8+s4], $0x50, $0x38;
	[tilespmem:$0xF200] =	vst v63  }
0x21: {  	_ =	swait.ge [sflag:s14], $0x50  }
0x22: {  	[sflag:s14] =	ssyncset.done $0x0  }
0x23: {  	[sflag:s14] =	ssyncadd.s32 $0xFFFFFFB0  }
0x24: {  	[tilespmem:s20], [sflag:$0x2] =	stream.indirect.gather [hbm4b:s5+s15], $0x80, s19, s15, $0xb8;
	[tilespmem:$0xF200] =	vst v63  }
0x25: {  	_ = 	snop  }
0x26: {  	[tilespmem:s21], [sflag:$0x2] =	stream.indirect.gather [hbm4b:s6+s15], $0x80, s19, s15, $0xb8;
	[tilespmem:$0xF200] =	vst v63  }
0x27: {  	_ = 	snop  }
0x28: {  	[tilespmem:s22], [sflag:$0x2] =	stream.indirect.gather [hbm4b:s2+s15], $0x80, s19, s15, $0xb8;
	[tilespmem:$0xF200] =	vst v63  }
0x29: {  	_ =	swait.ge [sflag:s23], $0x2800  }
0x2a: {  	[sflag:s23] =	ssyncset.done $0x0  }
0x2b: {  	[sflag:s23] =	ssyncadd.s32 $0xFFFFD800  }
0x2c: {  	_ =	swait.ge [sflag:s23], $0x2800  }
0x2d: {  	[sflag:s23] =	ssyncset.done $0x0  }
0x2e: {  	[sflag:s23] =	ssyncadd.s32 $0xFFFFD800  }
0x2f: {  	_ =	swait.ge [sflag:s23], $0x2800  }
0x30: {  	[sflag:s23] =	ssyncset.done $0x0  }
0x31: {  	[sflag:s23] =	ssyncadd.s32 $0xFFFFD800  }
0x32: {  	v1 =	vld [tilespmem:$0xF160]  }
0x33: {  	v2 =	vld [tilespmem:$0xF150]  }
0x34: {  	v3 =	vld [tilespmem:$0xF140]  }
0x35: {  	v4 =	vld [tilespmem:$0xF130]  }
0x36: {  	v5 =	vld [tilespmem:$0xF120]  }
0x37: {  	v6 =	vld [tilespmem:$0xF100]  }
0x38: {  	s28 =	simm.s32 $0x0;
	v7 =	vld [tilespmem:$0xF110]  }
0x39: {  	v8 =	vld [tilespmem:s28+$0x170]  }
0x3a: {  	v9 =	vld [tilespmem:s28+$0x160]  }
0x3b: {  	v10 =	vld [tilespmem:s28+$0x150]  }
0x3c: {  	v11 =	vld [tilespmem:s28+$0x140]  }
0x3d: {  	v12 =	vld [tilespmem:s28+$0x5100]  }
0x3e: {  	v13 =	vld [tilespmem:s28+$0x120]  }
0x3f: {  	v14 =	vld [tilespmem:s28+$0x2900]  }
0x40: {  	v15 =	vld [tilespmem:s28+$0x100]  }
0x41: {  	v16 =	vld [tilespmem:s28+$0x110]  }
0x42: {  	v17 =	vld [tilespmem:s28+$0x2910]  }
0x43: {  	v18 =	vld [tilespmem:s28+$0x2920]  }
0x44: {  	v19 =	vld [tilespmem:s28+$0x130]  }
0x45: {  	v20 =	vld [tilespmem:s28+$0x2930]  }
0x46: {  	v21 =	vld [tilespmem:s28+$0x5110]  }
0x47: {  	v14 =	vadd.f32 v14, v15;
	v15 =	vadd.f32 v17, v16;
	v16 =	vld [tilespmem:s28+$0x2940]  }
0x48: {  	v13 =	vadd.f32 v18, v13;
	v17 =	vld [tilespmem:s28+$0x5120]  }
0x49: {  	v6 =	vadd.f32 v6, v14;
	v7 =	vadd.f32 v7, v15;
	v14 =	vld [tilespmem:s28+$0x2950]  }
0x4a: {  	v5 =	vadd.f32 v5, v13;
	v13 =	vadd.f32 v20, v19;
	v15 =	vld [tilespmem:s28+$0x5130]  }
0x4b: {  	v6 =	vsub.f32 v6, v12;
	v7 =	vsub.f32 v7, v21;
	v12 =	vld [tilespmem:s28+$0x2960]  }
0x4c: {  	v4 =	vadd.f32 v4, v13;
	v13 =	vld [tilespmem:s28+$0x5140];
	v11 =	vadd.f32 v16, v11  }
0x4d: {  	v5 =	vsub.f32 v5, v17;
	v16 =	vld [tilespmem:s28+$0x2970];
	v6 =	vmul.f32 v6, v6;
	v7 =	vmul.f32 v7, v7  }
0x4e: {  	v3 =	vadd.f32 v3, v11;
	v10 =	vadd.f32 v14, v10;
	v11 =	vld [tilespmem:s28+$0x5150]  }
0x4f: {  	v5 =	vmul.f32 v5, v5;
	v4 =	vsub.f32 v4, v15;
	v6 =	vadd.f32 v7, v6;
	v7 =	vld [tilespmem:$0xF170]  }
0x50: {  	v2 =	vadd.f32 v2, v10;
	v9 =	vadd.f32 v12, v9;
	v10 =	vld [tilespmem:s28+$0x5160]  }
0x51: {  	v4 =	vmul.f32 v4, v4;
	v3 =	vsub.f32 v3, v13;
	v5 =	vadd.f32 v5, v6  }
0x52: {  	v6 =	vadd.f32 v16, v8;
	v8 =	vld [tilespmem:s28+$0x5170];
	v1 =	vadd.f32 v1, v9  }
0x53: {  	v3 =	vmul.f32 v3, v3;
	v4 =	vadd.f32 v4, v5;
	v2 =	vsub.f32 v2, v11  }
0x54: {  	v5 =	vadd.f32 v7, v6  }
0x55: {  	v3 =	vadd.f32 v3, v4;
	v2 =	vmul.f32 v2, v2;
	v1 =	vsub.f32 v1, v10;
	_ =	sdelay $0x1  }
0x56: {  	v2 =	vadd.f32 v2, v3;
	v1 =	vmul.f32 v1, v1;
	v3 =	vsub.f32 v5, v8;
	_ =	sdelay $0x1  }
0x57: {  	v2 =	vadd.f32 v1, v2;
	v3 =	vmul.f32 v3, v3  }
0x58: {  	v5 =	vld [tilespmem:$0xF180]  }
0x59: {  	p0 =	slt.u32 s11, $0x1388;
	s28 =	simm.f32 $1.000000000e+00;
	v11 =	vld [tilespmem:$0xF110];
	v3 =	vadd.f32 v3, v2  }
0x5a: {  	s28 =	simm.s32 @!p0 $0x0;
	v6 =	vld [tilespmem:$0xF130]  }
0x5b: {  	v4 =	vld [tilespmem:$0xF140];
	v3 =	vmul.f32 s28, v3  }
0x5c: {  	v10 =	vld [tilespmem:$0xF100]  }
0x5d: {  	v8 =	vld [tilespmem:$0xF120];
	v3 =	vadd.f32 v3, v5  }
0x5e: {  	v1 =	vld [tilespmem:$0xF160]  }
0x5f: {  	s29 =	simm.s32 $0x80;
	v2 =	vld [tilespmem:$0xF150];
	[tilespmem:$0xF180] =	vst v3  }
0x60: {  	v3 =	vld [tilespmem:s29+$0x170]  }
0x61: {  	v5 =	vld [tilespmem:s29+$0x160]  }
0x62: {  	v7 =	vld [tilespmem:s29+$0x150]  }
0x63: {  	v9 =	vld [tilespmem:s29+$0x140]  }
0x64: {  	v12 =	vld [tilespmem:s29+$0x5100]  }
0x65: {  	v13 =	vld [tilespmem:s29+$0x120]  }
0x66: {  	v14 =	vld [tilespmem:s29+$0x2900]  }
0x67: {  	v15 =	vld [tilespmem:s29+$0x100]  }
0x68: {  	s30 =	simm.s32 $0x400;
	s28 =	smov.u32 s11;
	v16 =	vld [tilespmem:s29+$0x110]  }
.LBB2_2:
0x69: {  	p0 =	sne.s32 s30, $0x9E00;
	v17 =	vld [tilespmem:s29+$0x2910]  }
0x6a: {  	v18 =	vld [tilespmem:s29+$0x2920]  }
0x6b: {  	v19 =	vld [tilespmem:s29+$0x130]  }
0x6c: {  	v20 =	vld [tilespmem:s29+$0x2930]  }
0x6d: {  	v21 =	vld [tilespmem:s29+$0x5110]  }
0x6e: {  	v14 =	vadd.f32 v14, v15;
	v15 =	vadd.f32 v17, v16;
	v16 =	vld [tilespmem:s29+$0x2940]  }
0x6f: {  	v13 =	vadd.f32 v18, v13;
	v17 =	vld [tilespmem:s29+$0x5120]  }
0x70: {  	v10 =	vadd.f32 v10, v14;
	v11 =	vadd.f32 v11, v15;
	v14 =	vld [tilespmem:s29+$0x2950]  }
0x71: {  	v8 =	vadd.f32 v8, v13;
	v13 =	vadd.f32 v20, v19;
	v15 =	vld [tilespmem:s29+$0x5130]  }
0x72: {  	v10 =	vsub.f32 v10, v12;
	v11 =	vsub.f32 v11, v21;
	v12 =	vld [tilespmem:s29+$0x2960]  }
0x73: {  	v6 =	vadd.f32 v6, v13;
	v9 =	vadd.f32 v16, v9;
	v13 =	vld [tilespmem:s29+$0x5140]  }
0x74: {  	v10 =	vmul.f32 v10, v10;
	v11 =	vmul.f32 v11, v11;
	v8 =	vsub.f32 v8, v17;
	v16 =	vld [tilespmem:s29+$0x2970]  }
0x75: {  	v4 =	vadd.f32 v4, v9;
	v7 =	vadd.f32 v14, v7;
	v9 =	vld [tilespmem:s29+$0x5150]  }
0x76: {  	v10 =	vadd.f32 v11, v10;
	v8 =	vmul.f32 v8, v8;
	v6 =	vsub.f32 v6, v15;
	v11 =	vld [tilespmem:$0xF170]  }
0x77: {  	v2 =	vadd.f32 v2, v7;
	v5 =	vadd.f32 v12, v5;
	v7 =	vld [tilespmem:s29+$0x5160]  }
0x78: {  	v8 =	vadd.f32 v8, v10;
	v6 =	vmul.f32 v6, v6;
	v4 =	vsub.f32 v4, v13  }
0x79: {  	v1 =	vadd.f32 v1, v5;
	v3 =	vadd.f32 v16, v3;
	v5 =	vld [tilespmem:s29+$0x5170]  }
0x7a: {  	v6 =	vadd.f32 v6, v8;
	v4 =	vmul.f32 v4, v4;
	v2 =	vsub.f32 v2, v9  }
0x7b: {  	v3 =	vadd.f32 v11, v3  }
0x7c: {  	v4 =	vadd.f32 v4, v6;
	v2 =	vmul.f32 v2, v2;
	v1 =	vsub.f32 v1, v7;
	_ =	sdelay $0x1  }
0x7d: {  	v2 =	vadd.f32 v2, v4;
	v1 =	vmul.f32 v1, v1;
	v3 =	vsub.f32 v3, v5;
	_ =	sdelay $0x1  }
0x7e: {  	v2 =	vadd.f32 v1, v2;
	v3 =	vmul.f32 v3, v3  }
0x7f: {  	s28 =	sadd.s32 $0x1, s28;
	v5 =	vld [tilespmem:$0xF180]  }
0x80: {  	p1 =	slt.u32 s28, $0x1388;
	s29 =	simm.f32 $1.000000000e+00;
	v1 =	vld [tilespmem:$0xF160];
	v3 =	vadd.f32 v3, v2  }
0x81: {  	s29 =	simm.s32 @!p1 $0x0;
	v2 =	vld [tilespmem:$0xF150]  }
0x82: {  	v4 =	vld [tilespmem:$0xF140];
	v3 =	vmul.f32 s29, v3  }
0x83: {  	v6 =	vld [tilespmem:$0xF130]  }
0x84: {  	v8 =	vld [tilespmem:$0xF120];
	v3 =	vadd.f32 v3, v5  }
0x85: {  	v10 =	vld [tilespmem:$0xF100]  }
0x86: {  	s29 =	sshra.s32 s30, $0x2;
	v11 =	vld [tilespmem:$0xF110];
	[tilespmem:$0xF180] =	vst v3  }
0x87: {  	v3 =	vld [tilespmem:s29+$0x170]  }
0x88: {  	v5 =	vld [tilespmem:s29+$0x160]  }
0x89: {  	v7 =	vld [tilespmem:s29+$0x150]  }
0x8a: {  	v9 =	vld [tilespmem:s29+$0x140]  }
.Ltmp0:
0x8b: {  	v12 =	vld [tilespmem:s29+$0x5100];
	(pc) =	sbr.rel @p0 .LBB2_2-.Ltmp0, $4  }
0x8c: {  	v13 =	vld [tilespmem:s29+$0x120]  }
0x8d: {  	v14 =	vld [tilespmem:s29+$0x2900]  }
0x8e: {  	v15 =	vld [tilespmem:s29+$0x100]  }
0x8f: {  	s30 =	sadd.s32 $0x200, s30;
	v16 =	vld [tilespmem:s29+$0x110]  }
0x90: {  	v17 =	vld [tilespmem:s29+$0x2910]  }
0x91: {  	v18 =	vld [tilespmem:s29+$0x2920]  }
0x92: {  	v19 =	vld [tilespmem:s29+$0x130]  }
0x93: {  	v20 =	vld [tilespmem:s29+$0x2930]  }
0x94: {  	v21 =	vld [tilespmem:s29+$0x5110]  }
0x95: {  	v14 =	vadd.f32 v14, v15;
	v15 =	vadd.f32 v17, v16;
	v16 =	vld [tilespmem:s29+$0x2940]  }
0x96: {  	v13 =	vadd.f32 v18, v13;
	v17 =	vld [tilespmem:s29+$0x5120]  }
0x97: {  	v10 =	vadd.f32 v10, v14;
	v14 =	vld [tilespmem:s29+$0x2950]  }
0x98: {  	v11 =	vadd.f32 v11, v15;
	v8 =	vadd.f32 v8, v13;
	v15 =	vld [tilespmem:s29+$0x5130]  }
0x99: {  	v13 =	vadd.f32 v20, v19;
	v10 =	vsub.f32 v10, v12  }
0x9a: {  	v12 =	vld [tilespmem:s29+$0x2960];
	v11 =	vsub.f32 v11, v21  }
0x9b: {  	v6 =	vadd.f32 v6, v13;
	v13 =	vld [tilespmem:s29+$0x5140];
	v10 =	vmul.f32 v10, v10;
	v9 =	vadd.f32 v16, v9  }
0x9c: {  	v8 =	vsub.f32 v8, v17;
	v16 =	vld [tilespmem:s29+$0x2970];
	v7 =	vadd.f32 v14, v7;
	v11 =	vmul.f32 v11, v11  }
0x9d: {  	v4 =	vadd.f32 v4, v9;
	v9 =	vld [tilespmem:s29+$0x5150];
	v6 =	vsub.f32 v6, v15  }
0x9e: {  	v8 =	vmul.f32 v8, v8;
	v2 =	vadd.f32 v2, v7;
	v7 =	vld [tilespmem:s29+$0x5160];
	v10 =	vadd.f32 v11, v10  }
0x9f: {  	v5 =	vadd.f32 v12, v5;
	v11 =	vld [tilespmem:$0xF170]  }
0xa0: {  	v6 =	vmul.f32 v6, v6;
	v4 =	vsub.f32 v4, v13;
	v8 =	vadd.f32 v8, v10  }
0xa1: {  	v1 =	vadd.f32 v1, v5;
	v5 =	vld [tilespmem:s29+$0x5170];
	v3 =	vadd.f32 v16, v3  }
0xa2: {  	v4 =	vmul.f32 v4, v4;
	v6 =	vadd.f32 v6, v8;
	v2 =	vsub.f32 v2, v9  }
0xa3: {  	v1 =	vsub.f32 v1, v7  }
0xa4: {  	v3 =	vadd.f32 v11, v3;
	v4 =	vadd.f32 v4, v6;
	v2 =	vmul.f32 v2, v2;
	_ =	sdelay $0x1  }
0xa5: {  	v1 =	vmul.f32 v1, v1;
	v3 =	vsub.f32 v3, v5;
	v2 =	vadd.f32 v2, v4;
	_ =	sdelay $0x1  }
0xa6: {  	v1 =	vadd.f32 v1, v2;
	v2 =	vmul.f32 v3, v3  }
0xa7: {  	s28 =	sadd.s32 $0x1, s28;
	v3 =	vld [tilespmem:$0xF180]  }
0xa8: {  	p0 =	slt.u32 s28, $0x1388;
	s28 =	simm.f32 $1.000000000e+00;
	v1 =	vadd.f32 v2, v1  }
0xa9: {  	s28 =	simm.s32 @!p0 $0x0  }
0xaa: {  	v1 =	vmul.f32 s28, v1;
	_ =	sdelay $0x1  }
0xab: {  	v1 =	vadd.f32 v1, v3;
	_ =	sdelay $0x1  }
0xac: {  	[tilespmem:$0xF180] =	vst v1  }
0xad: {  	_ =	swait.ge [sflag:s24], $0x2800  }
0xae: {  	[sflag:s24] =	ssyncset.done $0x0  }
0xaf: {  	[sflag:s24] =	ssyncadd.s32 $0xFFFFD800  }
0xb0: {  	_ =	swait.ge [sflag:s24], $0x2800  }
0xb1: {  	[sflag:s24] =	ssyncset.done $0x0  }
0xb2: {  	[sflag:s24] =	ssyncadd.s32 $0xFFFFD800  }
0xb3: {  	_ =	swait.ge [sflag:s24], $0x2800  }
0xb4: {  	[sflag:s24] =	ssyncset.done $0x0  }
0xb5: {  	[sflag:s24] =	ssyncadd.s32 $0xFFFFD800  }
0xb6: {  	v1 =	vld [tilespmem:$0xF160]  }
0xb7: {  	v2 =	vld [tilespmem:$0xF150]  }
0xb8: {  	v3 =	vld [tilespmem:$0xF140]  }
0xb9: {  	v4 =	vld [tilespmem:$0xF130]  }
0xba: {  	v5 =	vld [tilespmem:$0xF120]  }
0xbb: {  	v6 =	vld [tilespmem:$0xF100]  }
0xbc: {  	s28 =	simm.s32 $0x0;
	v7 =	vld [tilespmem:$0xF110]  }
0xbd: {  	v8 =	vld [tilespmem:s28+$0x7970]  }
0xbe: {  	v9 =	vld [tilespmem:s28+$0x7960]  }
0xbf: {  	v10 =	vld [tilespmem:s28+$0x7950]  }
0xc0: {  	v11 =	vld [tilespmem:s28+$0x7940]  }
0xc1: {  	v12 =	vld [tilespmem:s28+$0xC900]  }
0xc2: {  	v13 =	vld [tilespmem:s28+$0x7920]  }
0xc3: {  	v14 =	vld [tilespmem:s28+$0xA100]  }
0xc4: {  	v15 =	vld [tilespmem:s28+$0x7900]  }
0xc5: {  	v16 =	vld [tilespmem:s28+$0x7910]  }
0xc6: {  	v17 =	vld [tilespmem:s28+$0xA110]  }
0xc7: {  	v18 =	vld [tilespmem:s28+$0xA120]  }
0xc8: {  	v19 =	vld [tilespmem:s28+$0x7930]  }
0xc9: {  	v62 =	vld [tilespmem:s28+$0xA130]  }
0xca: {  	v63 =	vld [tilespmem:s28+$0xC910]  }
0xcb: {  	v14 =	vadd.f32 v14, v15;
	v15 =	vadd.f32 v17, v16;
	v16 =	vld [tilespmem:s28+$0xA140]  }
0xcc: {  	v13 =	vadd.f32 v18, v13;
	v17 =	vld [tilespmem:s28+$0xC920]  }
0xcd: {  	v6 =	vadd.f32 v6, v14;
	v7 =	vadd.f32 v7, v15;
	v14 =	vld [tilespmem:s28+$0xA150]  }
0xce: {  	v5 =	vadd.f32 v5, v13;
	v13 =	vadd.f32 v62, v19;
	v15 =	vld [tilespmem:s28+$0xC930]  }
0xcf: {  	v6 =	vsub.f32 v6, v12;
	v7 =	vsub.f32 v7, v63;
	v12 =	vld [tilespmem:s28+$0xA160]  }
0xd0: {  	v4 =	vadd.f32 v4, v13;
	v13 =	vld [tilespmem:s28+$0xC940];
	v11 =	vadd.f32 v16, v11  }
0xd1: {  	v5 =	vsub.f32 v5, v17;
	v16 =	vld [tilespmem:s28+$0xA170];
	v6 =	vmul.f32 v6, v6;
	v7 =	vmul.f32 v7, v7  }
0xd2: {  	v3 =	vadd.f32 v3, v11;
	v10 =	vadd.f32 v14, v10;
	v11 =	vld [tilespmem:s28+$0xC950]  }
0xd3: {  	v5 =	vmul.f32 v5, v5;
	v4 =	vsub.f32 v4, v15;
	v6 =	vadd.f32 v7, v6;
	v7 =	vld [tilespmem:$0xF170]  }
0xd4: {  	v2 =	vadd.f32 v2, v10;
	v9 =	vadd.f32 v12, v9;
	v10 =	vld [tilespmem:s28+$0xC960]  }
0xd5: {  	v4 =	vmul.f32 v4, v4;
	v3 =	vsub.f32 v3, v13;
	v5 =	vadd.f32 v5, v6  }
0xd6: {  	v6 =	vadd.f32 v16, v8;
	v8 =	vld [tilespmem:s28+$0xC970];
	v1 =	vadd.f32 v1, v9  }
0xd7: {  	v3 =	vmul.f32 v3, v3;
	v4 =	vadd.f32 v4, v5;
	v2 =	vsub.f32 v2, v11  }
0xd8: {  	v5 =	vadd.f32 v7, v6  }
0xd9: {  	v3 =	vadd.f32 v3, v4;
	v2 =	vmul.f32 v2, v2;
	v1 =	vsub.f32 v1, v10;
	_ =	sdelay $0x1  }
0xda: {  	v2 =	vadd.f32 v2, v3;
	v1 =	vmul.f32 v1, v1;
	v3 =	vsub.f32 v5, v8;
	_ =	sdelay $0x1  }
0xdb: {  	v2 =	vadd.f32 v1, v2;
	v3 =	vmul.f32 v3, v3  }
0xdc: {  	v5 =	vld [tilespmem:$0xF180]  }
0xdd: {  	p0 =	slt.u32 s12, $0x1388;
	s28 =	simm.f32 $1.000000000e+00;
	v11 =	vld [tilespmem:$0xF110];
	v3 =	vadd.f32 v3, v2  }
0xde: {  	s28 =	simm.s32 @!p0 $0x0;
	v6 =	vld [tilespmem:$0xF130]  }
0xdf: {  	v4 =	vld [tilespmem:$0xF140];
	v3 =	vmul.f32 s28, v3  }
0xe0: {  	v10 =	vld [tilespmem:$0xF100]  }
0xe1: {  	v8 =	vld [tilespmem:$0xF120];
	v3 =	vadd.f32 v3, v5  }
0xe2: {  	v1 =	vld [tilespmem:$0xF160]  }
0xe3: {  	s29 =	simm.s32 $0x80;
	v2 =	vld [tilespmem:$0xF150];
	[tilespmem:$0xF180] =	vst v3  }
0xe4: {  	v3 =	vld [tilespmem:s29+$0x7970]  }
0xe5: {  	v5 =	vld [tilespmem:s29+$0x7960]  }
0xe6: {  	v7 =	vld [tilespmem:s29+$0x7950]  }
0xe7: {  	v9 =	vld [tilespmem:s29+$0x7940]  }
0xe8: {  	v12 =	vld [tilespmem:s29+$0xC900]  }
0xe9: {  	v13 =	vld [tilespmem:s29+$0x7920]  }
0xea: {  	v14 =	vld [tilespmem:s29+$0xA100]  }
0xeb: {  	v15 =	vld [tilespmem:s29+$0x7900]  }
0xec: {  	s30 =	simm.s32 $0x400;
	s28 =	smov.u32 s12;
	v16 =	vld [tilespmem:s29+$0x7910]  }
.LBB2_4:
0xed: {  	p0 =	sne.s32 s30, $0x9E00;
	v17 =	vld [tilespmem:s29+$0xA110]  }
0xee: {  	v18 =	vld [tilespmem:s29+$0xA120]  }
0xef: {  	v19 =	vld [tilespmem:s29+$0x7930]  }
0xf0: {  	v20 =	vld [tilespmem:s29+$0xA130]  }
0xf1: {  	v21 =	vld [tilespmem:s29+$0xC910]  }
0xf2: {  	v14 =	vadd.f32 v14, v15;
	v15 =	vadd.f32 v17, v16;
	v16 =	vld [tilespmem:s29+$0xA140]  }
0xf3: {  	v13 =	vadd.f32 v18, v13;
	v17 =	vld [tilespmem:s29+$0xC920]  }
0xf4: {  	v10 =	vadd.f32 v10, v14;
	v11 =	vadd.f32 v11, v15;
	v14 =	vld [tilespmem:s29+$0xA150]  }
0xf5: {  	v8 =	vadd.f32 v8, v13;
	v13 =	vadd.f32 v20, v19;
	v15 =	vld [tilespmem:s29+$0xC930]  }
0xf6: {  	v10 =	vsub.f32 v10, v12;
	v11 =	vsub.f32 v11, v21;
	v12 =	vld [tilespmem:s29+$0xA160]  }
0xf7: {  	v6 =	vadd.f32 v6, v13;
	v9 =	vadd.f32 v16, v9;
	v13 =	vld [tilespmem:s29+$0xC940]  }
0xf8: {  	v10 =	vmul.f32 v10, v10;
	v11 =	vmul.f32 v11, v11;
	v8 =	vsub.f32 v8, v17;
	v16 =	vld [tilespmem:s29+$0xA170]  }
0xf9: {  	v4 =	vadd.f32 v4, v9;
	v7 =	vadd.f32 v14, v7;
	v9 =	vld [tilespmem:s29+$0xC950]  }
0xfa: {  	v10 =	vadd.f32 v11, v10;
	v8 =	vmul.f32 v8, v8;
	v6 =	vsub.f32 v6, v15;
	v11 =	vld [tilespmem:$0xF170]  }
0xfb: {  	v2 =	vadd.f32 v2, v7;
	v5 =	vadd.f32 v12, v5;
	v7 =	vld [tilespmem:s29+$0xC960]  }
0xfc: {  	v8 =	vadd.f32 v8, v10;
	v6 =	vmul.f32 v6, v6;
	v4 =	vsub.f32 v4, v13  }
0xfd: {  	v1 =	vadd.f32 v1, v5;
	v3 =	vadd.f32 v16, v3;
	v5 =	vld [tilespmem:s29+$0xC970]  }
0xfe: {  	v6 =	vadd.f32 v6, v8;
	v4 =	vmul.f32 v4, v4;
	v2 =	vsub.f32 v2, v9  }
0xff: {  	v3 =	vadd.f32 v11, v3  }
0x100: {  	v4 =	vadd.f32 v4, v6;
	v2 =	vmul.f32 v2, v2;
	v1 =	vsub.f32 v1, v7;
	_ =	sdelay $0x1  }
0x101: {  	v2 =	vadd.f32 v2, v4;
	v1 =	vmul.f32 v1, v1;
	v3 =	vsub.f32 v3, v5;
	_ =	sdelay $0x1  }
0x102: {  	v2 =	vadd.f32 v1, v2;
	v3 =	vmul.f32 v3, v3  }
0x103: {  	s28 =	sadd.s32 $0x1, s28;
	v5 =	vld [tilespmem:$0xF180]  }
0x104: {  	p1 =	slt.u32 s28, $0x1388;
	s29 =	simm.f32 $1.000000000e+00;
	v1 =	vld [tilespmem:$0xF160];
	v3 =	vadd.f32 v3, v2  }
0x105: {  	s29 =	simm.s32 @!p1 $0x0;
	v2 =	vld [tilespmem:$0xF150]  }
0x106: {  	v4 =	vld [tilespmem:$0xF140];
	v3 =	vmul.f32 s29, v3  }
0x107: {  	v6 =	vld [tilespmem:$0xF130]  }
0x108: {  	v8 =	vld [tilespmem:$0xF120];
	v3 =	vadd.f32 v3, v5  }
0x109: {  	v10 =	vld [tilespmem:$0xF100]  }
0x10a: {  	s29 =	sshra.s32 s30, $0x2;
	v11 =	vld [tilespmem:$0xF110];
	[tilespmem:$0xF180] =	vst v3  }
0x10b: {  	v3 =	vld [tilespmem:s29+$0x7970]  }
0x10c: {  	v5 =	vld [tilespmem:s29+$0x7960]  }
0x10d: {  	v7 =	vld [tilespmem:s29+$0x7950]  }
0x10e: {  	v9 =	vld [tilespmem:s29+$0x7940]  }
.Ltmp1:
0x10f: {  	v12 =	vld [tilespmem:s29+$0xC900];
	(pc) =	sbr.rel @p0 .LBB2_4-.Ltmp1, $4  }
0x110: {  	v13 =	vld [tilespmem:s29+$0x7920]  }
0x111: {  	v14 =	vld [tilespmem:s29+$0xA100]  }
0x112: {  	v15 =	vld [tilespmem:s29+$0x7900]  }
0x113: {  	s30 =	sadd.s32 $0x200, s30;
	v16 =	vld [tilespmem:s29+$0x7910]  }
0x114: {  	v17 =	vld [tilespmem:s29+$0xA110]  }
0x115: {  	v18 =	vld [tilespmem:s29+$0xA120]  }
0x116: {  	v19 =	vld [tilespmem:s29+$0x7930]  }
0x117: {  	v20 =	vld [tilespmem:s29+$0xA130]  }
0x118: {  	v21 =	vld [tilespmem:s29+$0xC910]  }
0x119: {  	v52 =	vld [tilespmem:s29+$0xA140];
	v14 =	vadd.f32 v14, v15;
	v51 =	vadd.f32 v17, v16  }
0x11a: {  	v53 =	vld [tilespmem:s29+$0xC920];
	v13 =	vadd.f32 v18, v13  }
0x11b: {  	v54 =	vld [tilespmem:s29+$0xA150];
	v10 =	vadd.f32 v10, v14;
	v11 =	vadd.f32 v11, v51  }
0x11c: {  	v56 =	vld [tilespmem:s29+$0xC930];
	v55 =	vadd.f32 v20, v19;
	v8 =	vadd.f32 v8, v13  }
0x11d: {  	v57 =	vld [tilespmem:s29+$0xA160];
	v10 =	vsub.f32 v10, v12;
	v11 =	vsub.f32 v11, v21  }
0x11e: {  	v58 =	vld [tilespmem:s29+$0xC940];
	v9 =	vadd.f32 v52, v9;
	v6 =	vadd.f32 v6, v55  }
0x11f: {  	v59 =	vld [tilespmem:s29+$0xA170];
	v10 =	vmul.f32 v10, v10;
	v8 =	vsub.f32 v8, v53;
	v11 =	vmul.f32 v11, v11  }
0x120: {  	v60 =	vld [tilespmem:s29+$0xC950];
	v7 =	vadd.f32 v54, v7;
	v4 =	vadd.f32 v4, v9  }
0x121: {  	v61 =	vld [tilespmem:$0xF170];
	v6 =	vsub.f32 v6, v56;
	v8 =	vmul.f32 v8, v8;
	v10 =	vadd.f32 v11, v10  }
0x122: {  	v62 =	vld [tilespmem:s29+$0xC960];
	v5 =	vadd.f32 v57, v5;
	v2 =	vadd.f32 v2, v7  }
0x123: {  	v4 =	vsub.f32 v4, v58;
	v6 =	vmul.f32 v6, v6;
	v8 =	vadd.f32 v8, v10  }
0x124: {  	v63 =	vld [tilespmem:s29+$0xC970];
	v3 =	vadd.f32 v59, v3;
	v1 =	vadd.f32 v1, v5  }
0x125: {  	v2 =	vsub.f32 v2, v60;
	v4 =	vmul.f32 v4, v4;
	v6 =	vadd.f32 v6, v8  }
0x126: {  	v3 =	vadd.f32 v61, v3  }
0x127: {  	v1 =	vsub.f32 v1, v62;
	v2 =	vmul.f32 v2, v2;
	v4 =	vadd.f32 v4, v6;
	_ =	sdelay $0x1  }
0x128: {  	v3 =	vsub.f32 v3, v63;
	v1 =	vmul.f32 v1, v1;
	v2 =	vadd.f32 v2, v4;
	_ =	sdelay $0x1  }
0x129: {  	v1 =	vadd.f32 v1, v2;
	v2 =	vmul.f32 v3, v3  }
0x12a: {  	s28 =	sadd.s32 $0x1, s28;
	v3 =	vld [tilespmem:$0xF180]  }
0x12b: {  	p0 =	slt.u32 s28, $0x1388;
	s28 =	simm.f32 $1.000000000e+00;
	v1 =	vadd.f32 v2, v1  }
0x12c: {  	s28 =	simm.s32 @!p0 $0x0  }
0x12d: {  	v1 =	vmul.f32 s28, v1;
	_ =	sdelay $0x1  }
0x12e: {  	s26 =	sadd.s32 $0x1, s26;
	v1 =	vadd.f32 v1, v3  }
0x12f: {  	p0 =	sne.s32 s26, s10  }
.Ltmp2:
0x130: {  	[tilespmem:$0xF180] =	vst v1;
	(pc) =	sbr.rel @p0 .LBB2_1-.Ltmp2, $4  }
0x131: {  	[hbm4b:s9+s4] =	stream.linear.scatter [tilespmem:s25], [sflag:$0x3], $0x10, $0x38;
	[tilespmem:$0xF200] =	vst v63  }
0x132: {  	_ =	swait.ge [sflag:s14], $0x10  }
0x133: {  	[sflag:s14] =	ssyncset.done $0x0  }
0x134: {  	[sflag:s14] =	ssyncadd.s32 $0xFFFFFFF0  }
0x135: {  	_ =	sfence.sel $0x180000  }
0x136: {  	[bflag:$0x0] =	sbarrier.arrive $0xFFFF  }
0x137: {  	p0 =	sne.s32 s0, $0x0;
	_ =	strace $0x9000004A  }
0x138: {  	s0 =	sadd.s32 @!p0 $0x100000, s1;
	[bflag:$0x2] =	sbarrier.arrive $0xFFFF  }
0x139: {  	[sflag:s0] =	ssyncadd.tile.s32 @!p0 $0x1;
	_ =	shalt  }
.Lfunc_end2:
_tile_overlayer_lowered:
.L_overlay_start_2:
0x13a: {  	(tag) =	ssettag $0x2  }
0x13b: {  	s0 =	rddreg [dreg:$0x0];
	s2 =	stileid.u32  }
0x13c: {  	s1 =	rddreg [dreg:$0x1];
	p0 =	sne.s32 s2, $0x0  }
0x13d: {  	s3 =	rddreg [dreg:$0x2];
	[bflag:$0x3] =	sbarrier.arrive $0xFFFF;
	s2 =	simm.s32 @!p0 $0x1C03  }
0x13e: {  	[timem:s3], [sflag:s2] =	dma.local @!p0 [hbm:s0], s1  }
0x13f: {  	s0 =	simm.s32 @!p0 $0x3  }
0x140: {  	_ =	swait.ge @!p0 [sflag:s0], s1  }
0x141: {  	s1 =	ssub.s32 @!p0 $0x0, s1;
	[sflag:s0] =	ssyncset.done @!p0 $0x0  }
0x142: {  	[sflag:s0] =	ssyncadd.s32 @!p0 s1  }
0x143: {  	[bflag:$0x3] =	sbarrier.arrive $0xFFFF  }
0x144: {  	_ =	shalt  }

</sc_bundles>
